<compile_context>
chip_gen: v7x
topology: tpu7x:2x2x1
jax: 0.10.2.dev20260603
libtpu: 0.0.44.dev20260713+nightly
codegen_flags: <defaults>
</compile_context>

<pallas_src>
import functools

import jax
import jax.numpy as jnp
from jax import lax
from jax.experimental import pallas as pl
from jax.experimental.pallas import tpu as pltpu
from jax.experimental.pallas import tpu_sc as plsc

_H = 512
_W = 512
_STUFF = 53
_NI = 64
_M = 100
_COUT = _STUFF + _NI
_B = 256
_BAND = 384
_NS = 8
_LEAD = 4


def _stripe_copy(chan_ref, par_ref, sem_ref, stripe_ref, stripe_sem, n):
    yb = pl.multiple_of(par_ref[6, n], 128)
    xs = pl.multiple_of(par_ref[7, n], 128)
    return pltpu.make_async_copy(
        sem_ref.at[chan_ref[n], pl.ds(yb, _B), pl.ds(xs, _B)],
        stripe_ref.at[n], stripe_sem.at[n])


def _sread(sem_ref, sbuf, rsem, n):
    return pltpu.make_async_copy(sem_ref.at[n], sbuf.at[lax.rem(n, _NS)],
                                 rsem.at[lax.rem(n, _NS)])


def _swrite(out_ref, sbuf, wsem, n):
    return pltpu.make_async_copy(sbuf.at[lax.rem(n, _NS)], out_ref.at[n],
                                 wsem.at[lax.rem(n, _NS)])


def _body(chan_ref, par_ref, sem_ref, mask_ref, out_ref, win_ref,
          stripe_ref, sbuf, mbuf, rsem, wsem,
          stripe_sem, msem):
    n = pl.program_id(0)

    @pl.when(n == 0)
    def _init():
        pltpu.make_async_copy(mask_ref, mbuf, msem).start()
        for i in range(_LEAD):
            _stripe_copy(chan_ref, par_ref, sem_ref, stripe_ref,
                         stripe_sem, i).start()

    @pl.when(n < _NI - _LEAD)
    def _stripe_prefetch():
        _stripe_copy(chan_ref, par_ref, sem_ref, stripe_ref,
                     stripe_sem, n + _LEAD).start()

    @pl.when((n >= _NS) & (n < _STUFF + _NS))
    def _stuff_wait_write():
        _swrite(out_ref, sbuf, wsem, n - _NS).wait()

    @pl.when(n < _STUFF)
    def _stuff_read():
        _sread(sem_ref, sbuf, rsem, n).start()

    @pl.when((n >= 2) & (n < _STUFF + 2))
    def _stuff_write():
        _sread(sem_ref, sbuf, rsem, n - 2).wait()
        _swrite(out_ref, sbuf, wsem, n - 2).start()

    @pl.when(n == 0)
    def _mask_wait():
        pltpu.make_async_copy(mask_ref, mbuf, msem).wait()

    by0 = par_ref[0, n]
    bx0 = par_ref[1, n]
    by1 = par_ref[2, n]
    bx1 = par_ref[3, n]
    cy2 = par_ref[4, n]
    cx2 = par_ref[5, n]
    yb = pl.multiple_of(par_ref[6, n], 128)
    xs = pl.multiple_of(par_ref[7, n], 128)
    yb3 = pl.multiple_of(par_ref[8, n], 128)

    bhf = (by1 - by0 + 1).astype(jnp.float32)
    bwf = (bx1 - bx0 + 1).astype(jnp.float32)

    def weights(base, x0, sizef, hi):
        ri = base + lax.broadcasted_iota(jnp.int32, (_B, 1), 0)
        rf = ri.astype(jnp.float32)
        s = (rf - x0.astype(jnp.float32) + 0.5) * (_M / sizef) - 0.5
        s = jnp.clip(s, 0.0, _M - 1.0)
        sf = jnp.floor(s)
        w = s - sf
        keep = (ri >= x0) & (ri <= hi)
        i0 = sf.astype(jnp.int32)
        i1 = jnp.minimum(i0 + 1, _M - 1)
        kk = lax.broadcasted_iota(jnp.int32, (_B, _M), 1)
        wm = (jnp.where(kk == i0, 1.0 - w, 0.0)
              + jnp.where(kk == i1, w, 0.0))
        return jnp.where(keep, wm, 0.0)

    wy = weights(yb, by0, bhf, by1)
    wx = weights(xs, bx0, bwf, bx1)
    m2d = mbuf[n]
    tmp = lax.dot_general(wy, m2d, (((1,), (0,)), ((), ())),
                          precision=lax.Precision.HIGHEST,
                          preferred_element_type=jnp.float32)
    val = lax.dot_general(tmp, wx, (((1,), (1,)), ((), ())),
                          precision=lax.Precision.HIGHEST,
                          preferred_element_type=jnp.float32)

    iy = yb + lax.broadcasted_iota(jnp.int32, (_B, 1), 0)
    ix = xs + lax.broadcasted_iota(jnp.int32, (1, _B), 1)
    rowm = ((iy >= by0) & (iy < cy2)).astype(jnp.float32)
    colm = ((ix >= bx0) & (ix < cx2)).astype(jnp.float32)

    _stripe_copy(chan_ref, par_ref, sem_ref, stripe_ref,
                 stripe_sem, n).wait()
    win_ref[...] = (val + stripe_ref[n] * (rowm * colm))[None]




_SC_MESH = plsc.VectorSubcoreMesh(core_axis_name="c", subcore_axis_name="s")


def _sc_extract(parv, row, n):
    lanes = lax.broadcasted_iota(jnp.int32, (16,), 0)
    acc = jnp.int32(0)
    for j in range(_NI // 16):
        v = parv[row, pl.ds(j * 16, 16)]
        acc = acc + jnp.sum(jnp.where(lanes + j * 16 == n, v, 0))
    return acc


@functools.partial(
    pl.kernel,
    mesh=_SC_MESH,
    scratch_types=[
        pltpu.VMEM((2, _NI + 16), jnp.int32),
        pltpu.VMEM((_B, _B), jnp.float32),
        pltpu.VMEM_SHARED((128, _W), jnp.float32),
        pltpu.SemaphoreType.DMA,
    ],
)
def _sc_fill(buf_ref, win_ref, par_ref, zeros_ref,
             parv, wbuf, zsh, dsem):
    cid = lax.axis_index("c")
    sid = lax.axis_index("s")
    wid = sid * 2 + cid

    pltpu.sync_copy(par_ref, parv)

    @pl.when(sid == 0)
    def _zinit():
        pltpu.make_async_copy(zeros_ref, zsh, dsem).start()
        pltpu.make_async_copy(zeros_ref, zsh, dsem).wait()

    plsc.subcore_barrier()

    for k in range(2):
        n = wid * 2 + k
        yb = parv[0, pl.ds(n, 16)][0] * 128
        xs = parv[1, pl.ds(n, 16)][0] * 128
        pltpu.make_async_copy(win_ref.at[n], wbuf, dsem).start()
        for j in range(4):
            pltpu.make_async_copy(
                zsh, buf_ref.at[_STUFF + n, pl.ds(j * 128, 128), :],
                dsem).start()
        for j in range(4):
            pltpu.make_async_copy(
                zsh, buf_ref.at[_STUFF + n, pl.ds(j * 128, 128), :],
                dsem).wait()
        pltpu.make_async_copy(win_ref.at[n], wbuf, dsem).wait()
        for r in range(2):
            pltpu.make_async_copy(
                wbuf.at[pl.ds(r * 128, 128), :],
                buf_ref.at[_STUFF + n, pl.ds(yb + r * 128, 128),
                           pl.ds(xs, _B)],
                dsem).start()
        for r in range(2):
            pltpu.make_async_copy(
                wbuf.at[pl.ds(r * 128, 128), :],
                buf_ref.at[_STUFF + n, pl.ds(yb + r * 128, 128),
                           pl.ds(xs, _B)],
                dsem).wait()


@jax.jit
def kernel(sem_seg_logits, mask_logits, boxes, cls_idx):
    sem = sem_seg_logits[0]
    masks = mask_logits[:, 0]

    bx0 = boxes[:, 0].astype(jnp.int32)
    by0 = boxes[:, 1].astype(jnp.int32)
    bx1 = boxes[:, 2].astype(jnp.int32)
    by1 = boxes[:, 3].astype(jnp.int32)
    cx2 = jnp.round(boxes[:, 2]).astype(jnp.int32) + 1
    cy2 = jnp.round(boxes[:, 3]).astype(jnp.int32) + 1
    yb = jnp.minimum((by0 // 128) * 128, _H - _B)
    xs = jnp.minimum((bx0 // 128) * 128, _W - _B)
    yb3 = jnp.where(by0 < 128, 0, 128)
    params = jnp.stack([by0, bx0, by1, bx1, cy2, cx2, yb, xs, yb3])

    chan_sel = _STUFF + cls_idx.astype(jnp.int32)

    grid_spec = pltpu.PrefetchScalarGridSpec(
        num_scalar_prefetch=2,
        grid=(_NI,),
        in_specs=[
            pl.BlockSpec(memory_space=pl.ANY),
            pl.BlockSpec(memory_space=pl.ANY),
        ],
        out_specs=[
            pl.BlockSpec(memory_space=pl.ANY),
            pl.BlockSpec((1, _B, _B),
                         lambda n, chan, par: (n, 0, 0)),
        ],
        scratch_shapes=[
            pltpu.VMEM((_NI, _B, _B), jnp.float32),
            pltpu.VMEM((_NS, _H, _W), jnp.float32),
            pltpu.VMEM((_NI, _M, _M), jnp.float32),
            pltpu.SemaphoreType.DMA((_NS,)),
            pltpu.SemaphoreType.DMA((_NS,)),
            pltpu.SemaphoreType.DMA((_NI,)),
            pltpu.SemaphoreType.DMA,
        ],
    )

    canvas, windows = pl.pallas_call(
        _body,
        grid_spec=grid_spec,
        out_shape=[jax.ShapeDtypeStruct((_COUT, _H, _W), jnp.float32),
                   jax.ShapeDtypeStruct((_NI, _B, _B), jnp.float32)],
        compiler_params=pltpu.CompilerParams(
            dimension_semantics=("arbitrary",),
        ),
    )(chan_sel, params, sem, masks)

    scpar = jnp.pad(jnp.stack([yb // 128, xs // 128]),
                    ((0, 0), (0, 16))).astype(jnp.int32)
    zeros_src = jnp.zeros((128, _W), jnp.float32)
    buf = jax.new_ref(canvas)
    _sc_fill(buf, windows, scpar, zeros_src)
    return buf[...][None]

# --- scband reference (transcript-rebuilt; emitter-appended) ---
"""Pipeline reference for scband-panoptic-head-1606317769399 (READ-ONLY COPY).

The authoritative reference and input builder live on the scoring server;
editing this copy changes nothing except your own understanding.
"""

import jax, jax.numpy as jnp
import numpy as np

H = 512
W = 512
STUFF = 53
THING = 80
NUM_INST = 64
MSIZE = 100


def setup_inputs(seed: int = 0):
    key = jax.random.key(seed)
    k1, k2, k3, k4, k5, k6 = jax.random.split(key, 6)
    sem_seg_logits = jax.random.normal(k1, (1, STUFF + THING, H, W), dtype=jnp.float32)
    mask_logits = jax.random.normal(k2, (NUM_INST, 1, MSIZE, MSIZE), dtype=jnp.float32)
    x0 = jax.random.uniform(k3, (NUM_INST,), minval=0.0, maxval=float(W - 81))
    y0 = jax.random.uniform(k4, (NUM_INST,), minval=0.0, maxval=float(H - 81))
    wh = jax.random.uniform(k5, (NUM_INST, 2), minval=16.0, maxval=79.0)
    boxes = jnp.stack([x0, y0, x0 + wh[:, 0], y0 + wh[:, 1]], axis=1)
    cls_idx = jax.random.randint(k6, (NUM_INST,), 1, THING)
    return {"sem_seg_logits": sem_seg_logits, "mask_logits": mask_logits, "boxes": boxes, "cls_idx": cls_idx}


def _paste_one(mask2d, x0, y0, bw, bh):
    # bilinear upsample (align_corners=False) of MSIZExMSIZE mask to (bh,bw) box, pasted into HxW canvas
    hy = jnp.arange(H, dtype=jnp.float32)
    wxr = jnp.arange(W, dtype=jnp.float32)
    sy = (hy - y0.astype(jnp.float32) + 0.5) * (MSIZE / bh.astype(jnp.float32)) - 0.5
    sx = (wxr - x0.astype(jnp.float32) + 0.5) * (MSIZE / bw.astype(jnp.float32)) - 0.5
    sy = jnp.clip(sy, 0.0, MSIZE - 1.0)
    sx = jnp.clip(sx, 0.0, MSIZE - 1.0)
    yf = jnp.floor(sy)
    xf = jnp.floor(sx)
    yi0 = yf.astype(jnp.int32)
    yi1 = jnp.minimum(yi0 + 1, MSIZE - 1)
    xi0 = xf.astype(jnp.int32)
    xi1 = jnp.minimum(xi0 + 1, MSIZE - 1)
    wy = sy - yf
    wx = sx - xf
    r0 = mask2d[yi0]
    r1 = mask2d[yi1]
    v00 = r0[:, xi0]
    v01 = r0[:, xi1]
    v10 = r1[:, xi0]
    v11 = r1[:, xi1]
    val = (v00 * (1.0 - wy)[:, None] * (1.0 - wx)[None, :]
           + v01 * (1.0 - wy)[:, None] * wx[None, :]
           + v10 * wy[:, None] * (1.0 - wx)[None, :]
           + v11 * wy[:, None] * wx[None, :])
    iy = jnp.arange(H)
    ix = jnp.arange(W)
    inside = ((iy >= y0) & (iy <= y0 + bh - 1))[:, None] & ((ix >= x0) & (ix <= x0 + bw - 1))[None, :]
    return jnp.where(inside, val, 0.0)


def _forward(sem_seg_logits, mask_logits, boxes, cls_idx):
    stuff_logits = sem_seg_logits[:, :STUFF]
    thing_sem = sem_seg_logits[0, STUFF:]
    # _unmap_mask_logits_single: bbox.long() truncation, upsample mask to box size, paste into canvas
    bx0 = boxes[:, 0].astype(jnp.int32)
    by0 = boxes[:, 1].astype(jnp.int32)
    bx1 = boxes[:, 2].astype(jnp.int32)
    by1 = boxes[:, 3].astype(jnp.int32)
    bw = bx1 - bx0 + 1
    bh = by1 - by0 + 1
    thing_mask_logits = jax.vmap(_paste_one)(mask_logits[:, 0], bx0, by0, bw, bh)
    # _crop_thing_logits_single: x1=int(b0), y1=int(b1), x2=int(round(b2))+1, y2=int(round(b3))+1
    cx1 = boxes[:, 0].astype(jnp.int32)
    cy1 = boxes[:, 1].astype(jnp.int32)
    cx2 = jnp.round(boxes[:, 2]).astype(jnp.int32) + 1
    cy2 = jnp.round(boxes[:, 3]).astype(jnp.int32) + 1
    sel = jnp.take(thing_sem, cls_idx, axis=0)  # gather per-instance class channel [N,H,W]
    iy = jnp.arange(H)[None, :, None]
    ix = jnp.arange(W)[None, None, :]
    crop_mask = ((iy >= cy1[:, None, None]) & (iy < cy2[:, None, None])
                 & (ix >= cx1[:, None, None]) & (ix < cx2[:, None, None]))
    thing_crop = jnp.where(crop_mask, sel, 0.0)
    thing_logits_by_instance = thing_mask_logits + thing_crop
    pan_logits = jnp.concatenate([stuff_logits, thing_logits_by_instance[None]], axis=1)
    return pan_logits


def reference(sem_seg_logits, mask_logits, boxes, cls_idx):
    return _forward(sem_seg_logits, mask_logits, boxes, cls_idx)

if __name__ == "__main__":
    import jax
    _d = setup_inputs()
    print(jax.jit(kernel)(*tuple(_d.values())))

</pallas_src>

<mosaic_0001>
#map = affine_map<(d0, d1) -> (0, 0, 0)>
#map1 = affine_map<(d0, d1) -> (0, 0)>
module attributes {stable_mosaic.version = 14 : i64} {
  func.func @new_body(%arg0: i32, %arg1: i32, %arg2: memref<117x512x512xf32, #tpu.memory_space<hbm>>, %arg3: memref<64x256x256xf32, #tpu.memory_space<hbm>>, %arg4: memref<2x80xi32, #tpu.memory_space<hbm>>, %arg5: memref<128x512xf32, #tpu.memory_space<hbm>>, %arg6: memref<117x512x512xf32, #tpu.memory_space<hbm>>, %arg7: memref<2x80xi32, #tpu.memory_space<vmem>>, %arg8: memref<256x256xf32, #tpu.memory_space<vmem>>, %arg9: memref<128x512xf32, #tpu.memory_space<vmem_shared>>, %arg10: memref<!tpu.dma_semaphore, #tpu.memory_space<semaphore_mem>>) attributes {dimension_semantics = [#tpu.dimension_semantics<core_parallel>, #tpu.dimension_semantics<subcore_parallel>], iteration_bounds = array<i64: 2, 16>, scalar_prefetch = 0 : i64, scratch_operands = 4 : i64, tpu.core_type = #tpu.core_type<sc_vector_subcore>, window_params = [{transform_indices = #map}, {transform_indices = #map}, {transform_indices = #map1}, {transform_indices = #map1}, {transform_indices = #map}]} {
    %mul3A = arith.constant 2 : i32
    %mul3A_0 = arith.muli %arg1, %mul3A : i32
    %add3A = arith.addi %mul3A_0, %arg0 : i32
    "tpu.region"() ({
      %run_scoped3A = tpu.sem_alloc : memref<!tpu.dma_semaphore, #tpu.memory_space<semaphore_mem>>
      tpu.enqueue_dma source(%arg4 : memref<2x80xi32, #tpu.memory_space<hbm>>) target(%arg7 : memref<2x80xi32, #tpu.memory_space<vmem>>) target_semaphore(%run_scoped3A : memref<!tpu.dma_semaphore, #tpu.memory_space<semaphore_mem>>)
      tpu.wait_dma2 semaphore(%run_scoped3A : memref<!tpu.dma_semaphore, #tpu.memory_space<semaphore_mem>>) src(%arg4 : memref<2x80xi32, #tpu.memory_space<hbm>>) dst(%arg7 : memref<2x80xi32, #tpu.memory_space<vmem>>)
      tpu.yield
    }) : () -> ()
    %eq3A = arith.constant 0 : i32
    %eq3A_1 = arith.cmpi eq, %arg1, %eq3A : i32
    %convert_element_type3A = arith.extui %eq3A_1 : i1 to i32
    %cond3A = arith.constant 0 : i32
    %cond3A_2 = arith.cmpi ne, %convert_element_type3A, %cond3A : i32
    scf.if %cond3A_2 {
      tpu.enqueue_dma source(%arg5 : memref<128x512xf32, #tpu.memory_space<hbm>>) target(%arg9 : memref<128x512xf32, #tpu.memory_space<vmem_shared>>) target_semaphore(%arg10 : memref<!tpu.dma_semaphore, #tpu.memory_space<semaphore_mem>>)
      tpu.wait_dma2 semaphore(%arg10 : memref<!tpu.dma_semaphore, #tpu.memory_space<semaphore_mem>>) src(%arg5 : memref<128x512xf32, #tpu.memory_space<hbm>>) dst(%arg9 : memref<128x512xf32, #tpu.memory_space<vmem_shared>>)
    } else {
    }
    %barrier3A = arith.constant 0 : index
    tpu.barrier barrier_id(%barrier3A)
    %mul3A_3 = arith.constant 2 : i32
    %mul3A_4 = arith.muli %add3A, %mul3A_3 : i32
    %add3A_5 = arith.constant 0 : i32
    %add3A_6 = arith.addi %mul3A_4, %add3A_5 : i32
    %get3A = arith.constant 0 : i32
    %get3A_7 = arith.index_cast %get3A : i32 to index
    %get3A_8 = arith.index_cast %add3A_6 : i32 to index
    %get3A_9 = tpu.vector_load %arg7[%get3A_7, %get3A_8] {strides = array<i32>} : memref<2x80xi32, #tpu.memory_space<vmem>>, vector<1x16xi32>,
    %get3A_10 = vector.shape_cast %get3A_9 : vector<1x16xi32> to vector<16xi32>
    %slice3A = vector.extract_strided_slice %get3A_10 {offsets = [0], sizes = [1], strides = [1]} : vector<16xi32> to vector<1xi32>
    %squeeze3A = vector.extract %slice3A[0] : i32 from vector<1xi32>
    %mul3A_11 = arith.constant 128 : i32
    %mul3A_12 = arith.muli %squeeze3A, %mul3A_11 : i32
    %get3A_13 = arith.constant 1 : i32
    %get3A_14 = arith.index_cast %get3A_13 : i32 to index
    %get3A_15 = arith.index_cast %add3A_6 : i32 to index
    %get3A_16 = tpu.vector_load %arg7[%get3A_14, %get3A_15] {strides = array<i32>} : memref<2x80xi32, #tpu.memory_space<vmem>>, vector<1x16xi32>,
    %get3A_17 = vector.shape_cast %get3A_16 : vector<1x16xi32> to vector<16xi32>
    %slice3A_18 = vector.extract_strided_slice %get3A_17 {offsets = [0], sizes = [1], strides = [1]} : vector<16xi32> to vector<1xi32>
    %squeeze3A_19 = vector.extract %slice3A_18[0] : i32 from vector<1xi32>
    %mul3A_20 = arith.constant 128 : i32
    %mul3A_21 = arith.muli %squeeze3A_19, %mul3A_20 : i32
    %dma_start3A = arith.constant 0 : i32
    %dma_start3A_22 = arith.constant 0 : i32
    %dma_start3A_23 = tpu.memref_slice %arg3[%add3A_6, %dma_start3A, %dma_start3A_22] : memref<64x256x256xf32, #tpu.memory_space<hbm>> -> memref<1x256x256xf32, #tpu.memory_space<hbm>>
    %dma_start3A_24 = tpu.memref_squeeze %dma_start3A_23 : memref<1x256x256xf32, #tpu.memory_space<hbm>> -> memref<256x256xf32, #tpu.memory_space<hbm>>
    %dma_start3A_25 = arith.constant 0 : i32
    %dma_start3A_26 = arith.constant 0 : i32
    %dma_start3A_27 = tpu.memref_slice %arg3[%add3A_6, %dma_start3A_25, %dma_start3A_26] : memref<64x256x256xf32, #tpu.memory_space<hbm>> -> memref<1x256x256xf32, #tpu.memory_space<hbm>>
    %dma_start3A_28 = tpu.memref_squeeze %dma_start3A_27 : memref<1x256x256xf32, #tpu.memory_space<hbm>> -> memref<256x256xf32, #tpu.memory_space<hbm>>
    tpu.enqueue_dma source(%dma_start3A_28 : memref<256x256xf32, #tpu.memory_space<hbm>>) target(%arg8 : memref<256x256xf32, #tpu.memory_space<vmem>>) target_semaphore(%arg10 : memref<!tpu.dma_semaphore, #tpu.memory_space<semaphore_mem>>)
    %add3A_29 = arith.constant 53 : i32
    %add3A_30 = arith.addi %add3A_29, %add3A_6 : i32
    %dma_start3A_31 = arith.constant 0 : i32
    %dma_start3A_32 = arith.constant 0 : i32
    %dma_start3A_33 = tpu.memref_slice %arg2[%add3A_30, %dma_start3A_31, %dma_start3A_32] : memref<117x512x512xf32, #tpu.memory_space<hbm>> -> memref<1x128x512xf32, #tpu.memory_space<hbm>>
    %dma_start3A_34 = tpu.memref_squeeze %dma_start3A_33 : memref<1x128x512xf32, #tpu.memory_space<hbm>> -> memref<128x512xf32, #tpu.memory_space<hbm>>
    tpu.enqueue_dma source(%arg9 : memref<128x512xf32, #tpu.memory_space<vmem_shared>>) target(%dma_start3A_34 : memref<128x512xf32, #tpu.memory_space<hbm>>) target_semaphore(%arg10 : memref<!tpu.dma_semaphore, #tpu.memory_space<semaphore_mem>>)
    %add3A_35 = arith.constant 53 : i32
    %add3A_36 = arith.addi %add3A_35, %add3A_6 : i32
    %dma_start3A_37 = arith.constant 128 : i32
    %dma_start3A_38 = arith.constant 0 : i32
    %dma_start3A_39 = tpu.memref_slice %arg2[%add3A_36, %dma_start3A_37, %dma_start3A_38] : memref<117x512x512xf32, #tpu.memory_space<hbm>> -> memref<1x128x512xf32, #tpu.memory_space<hbm>>
    %dma_start3A_40 = tpu.memref_squeeze %dma_start3A_39 : memref<1x128x512xf32, #tpu.memory_space<hbm>> -> memref<128x512xf32, #tpu.memory_space<hbm>>
    tpu.enqueue_dma source(%arg9 : memref<128x512xf32, #tpu.memory_space<vmem_shared>>) target(%dma_start3A_40 : memref<128x512xf32, #tpu.memory_space<hbm>>) target_semaphore(%arg10 : memref<!tpu.dma_semaphore, #tpu.memory_space<semaphore_mem>>)
    %add3A_41 = arith.constant 53 : i32
    %add3A_42 = arith.addi %add3A_41, %add3A_6 : i32
    %dma_start3A_43 = arith.constant 256 : i32
    %dma_start3A_44 = arith.constant 0 : i32
    %dma_start3A_45 = tpu.memref_slice %arg2[%add3A_42, %dma_start3A_43, %dma_start3A_44] : memref<117x512x512xf32, #tpu.memory_space<hbm>> -> memref<1x128x512xf32, #tpu.memory_space<hbm>>
    %dma_start3A_46 = tpu.memref_squeeze %dma_start3A_45 : memref<1x128x512xf32, #tpu.memory_space<hbm>> -> memref<128x512xf32, #tpu.memory_space<hbm>>
    tpu.enqueue_dma source(%arg9 : memref<128x512xf32, #tpu.memory_space<vmem_shared>>) target(%dma_start3A_46 : memref<128x512xf32, #tpu.memory_space<hbm>>) target_semaphore(%arg10 : memref<!tpu.dma_semaphore, #tpu.memory_space<semaphore_mem>>)
    %add3A_47 = arith.constant 53 : i32
    %add3A_48 = arith.addi %add3A_47, %add3A_6 : i32
    %dma_start3A_49 = arith.constant 384 : i32
    %dma_start3A_50 = arith.constant 0 : i32
    %dma_start3A_51 = tpu.memref_slice %arg2[%add3A_48, %dma_start3A_49, %dma_start3A_50] : memref<117x512x512xf32, #tpu.memory_space<hbm>> -> memref<1x128x512xf32, #tpu.memory_space<hbm>>
    %dma_start3A_52 = tpu.memref_squeeze %dma_start3A_51 : memref<1x128x512xf32, #tpu.memory_space<hbm>> -> memref<128x512xf32, #tpu.memory_space<hbm>>
    tpu.enqueue_dma source(%arg9 : memref<128x512xf32, #tpu.memory_space<vmem_shared>>) target(%dma_start3A_52 : memref<128x512xf32, #tpu.memory_space<hbm>>) target_semaphore(%arg10 : memref<!tpu.dma_semaphore, #tpu.memory_space<semaphore_mem>>)
    %add3A_53 = arith.constant 53 : i32
    %add3A_54 = arith.addi %add3A_53, %add3A_6 : i32
    %dma_wait3A = arith.constant 0 : i32
    %dma_wait3A_55 = arith.constant 0 : i32
    %dma_wait3A_56 = tpu.memref_slice %arg2[%add3A_54, %dma_wait3A, %dma_wait3A_55] : memref<117x512x512xf32, #tpu.memory_space<hbm>> -> memref<1x128x512xf32, #tpu.memory_space<hbm>>
    %dma_wait3A_57 = tpu.memref_squeeze %dma_wait3A_56 : memref<1x128x512xf32, #tpu.memory_space<hbm>> -> memref<128x512xf32, #tpu.memory_space<hbm>>
    tpu.wait_dma2 semaphore(%arg10 : memref<!tpu.dma_semaphore, #tpu.memory_space<semaphore_mem>>) src(%arg9 : memref<128x512xf32, #tpu.memory_space<vmem_shared>>) dst(%dma_wait3A_57 : memref<128x512xf32, #tpu.memory_space<hbm>>)
    %add3A_58 = arith.constant 53 : i32
    %add3A_59 = arith.addi %add3A_58, %add3A_6 : i32
    %dma_wait3A_60 = arith.constant 128 : i32
    %dma_wait3A_61 = arith.constant 0 : i32
    %dma_wait3A_62 = tpu.memref_slice %arg2[%add3A_59, %dma_wait3A_60, %dma_wait3A_61] : memref<117x512x512xf32, #tpu.memory_space<hbm>> -> memref<1x128x512xf32, #tpu.memory_space<hbm>>
    %dma_wait3A_63 = tpu.memref_squeeze %dma_wait3A_62 : memref<1x128x512xf32, #tpu.memory_space<hbm>> -> memref<128x512xf32, #tpu.memory_space<hbm>>
    tpu.wait_dma2 semaphore(%arg10 : memref<!tpu.dma_semaphore, #tpu.memory_space<semaphore_mem>>) src(%arg9 : memref<128x512xf32, #tpu.memory_space<vmem_shared>>) dst(%dma_wait3A_63 : memref<128x512xf32, #tpu.memory_space<hbm>>)
    %add3A_64 = arith.constant 53 : i32
    %add3A_65 = arith.addi %add3A_64, %add3A_6 : i32
    %dma_wait3A_66 = arith.constant 256 : i32
    %dma_wait3A_67 = arith.constant 0 : i32
    %dma_wait3A_68 = tpu.memref_slice %arg2[%add3A_65, %dma_wait3A_66, %dma_wait3A_67] : memref<117x512x512xf32, #tpu.memory_space<hbm>> -> memref<1x128x512xf32, #tpu.memory_space<hbm>>
    %dma_wait3A_69 = tpu.memref_squeeze %dma_wait3A_68 : memref<1x128x512xf32, #tpu.memory_space<hbm>> -> memref<128x512xf32, #tpu.memory_space<hbm>>
    tpu.wait_dma2 semaphore(%arg10 : memref<!tpu.dma_semaphore, #tpu.memory_space<semaphore_mem>>) src(%arg9 : memref<128x512xf32, #tpu.memory_space<vmem_shared>>) dst(%dma_wait3A_69 : memref<128x512xf32, #tpu.memory_space<hbm>>)
    %add3A_70 = arith.constant 53 : i32
    %add3A_71 = arith.addi %add3A_70, %add3A_6 : i32
    %dma_wait3A_72 = arith.constant 384 : i32
    %dma_wait3A_73 = arith.constant 0 : i32
    %dma_wait3A_74 = tpu.memref_slice %arg2[%add3A_71, %dma_wait3A_72, %dma_wait3A_73] : memref<117x512x512xf32, #tpu.memory_space<hbm>> -> memref<1x128x512xf32, #tpu.memory_space<hbm>>
    %dma_wait3A_75 = tpu.memref_squeeze %dma_wait3A_74 : memref<1x128x512xf32, #tpu.memory_space<hbm>> -> memref<128x512xf32, #tpu.memory_space<hbm>>
    tpu.wait_dma2 semaphore(%arg10 : memref<!tpu.dma_semaphore, #tpu.memory_space<semaphore_mem>>) src(%arg9 : memref<128x512xf32, #tpu.memory_space<vmem_shared>>) dst(%dma_wait3A_75 : memref<128x512xf32, #tpu.memory_space<hbm>>)
    %dma_wait3A_76 = arith.constant 0 : i32
    %dma_wait3A_77 = arith.constant 0 : i32
    %dma_wait3A_78 = tpu.memref_slice %arg3[%add3A_6, %dma_wait3A_76, %dma_wait3A_77] : memref<64x256x256xf32, #tpu.memory_space<hbm>> -> memref<1x256x256xf32, #tpu.memory_space<hbm>>
    %dma_wait3A_79 = tpu.memref_squeeze %dma_wait3A_78 : memref<1x256x256xf32, #tpu.memory_space<hbm>> -> memref<256x256xf32, #tpu.memory_space<hbm>>
    %dma_wait3A_80 = arith.constant 0 : i32
    %dma_wait3A_81 = arith.constant 0 : i32
    %dma_wait3A_82 = tpu.memref_slice %arg3[%add3A_6, %dma_wait3A_80, %dma_wait3A_81] : memref<64x256x256xf32, #tpu.memory_space<hbm>> -> memref<1x256x256xf32, #tpu.memory_space<hbm>>
    %dma_wait3A_83 = tpu.memref_squeeze %dma_wait3A_82 : memref<1x256x256xf32, #tpu.memory_space<hbm>> -> memref<256x256xf32, #tpu.memory_space<hbm>>
    tpu.wait_dma2 semaphore(%arg10 : memref<!tpu.dma_semaphore, #tpu.memory_space<semaphore_mem>>) src(%dma_wait3A_83 : memref<256x256xf32, #tpu.memory_space<hbm>>) dst(%arg8 : memref<256x256xf32, #tpu.memory_space<vmem>>)
    %add3A_84 = arith.constant 53 : i32
    %add3A_85 = arith.addi %add3A_84, %add3A_6 : i32
    %add3A_86 = arith.constant 0 : i32
    %add3A_87 = arith.addi %mul3A_12, %add3A_86 : i32
    %dma_start3A_88 = arith.constant 0 : i32
    %dma_start3A_89 = arith.constant 0 : i32
    %dma_start3A_90 = tpu.memref_slice %arg8[%dma_start3A_88, %dma_start3A_89] : memref<256x256xf32, #tpu.memory_space<vmem>> -> memref<128x256xf32, #tpu.memory_space<vmem>>
    %dma_start3A_91 = tpu.memref_slice %arg2[%add3A_85, %add3A_87, %mul3A_21] : memref<117x512x512xf32, #tpu.memory_space<hbm>> -> memref<1x128x256xf32, #tpu.memory_space<hbm>>
    %dma_start3A_92 = tpu.memref_squeeze %dma_start3A_91 : memref<1x128x256xf32, #tpu.memory_space<hbm>> -> memref<128x256xf32, #tpu.memory_space<hbm>>
    %dma_start3A_93 = tpu.memref_slice %arg2[%add3A_85, %add3A_87, %mul3A_21] : memref<117x512x512xf32, #tpu.memory_space<hbm>> -> memref<1x128x256xf32, #tpu.memory_space<hbm>>
    %dma_start3A_94 = tpu.memref_squeeze %dma_start3A_93 : memref<1x128x256xf32, #tpu.memory_space<hbm>> -> memref<128x256xf32, #tpu.memory_space<hbm>>
    %dma_start3A_95 = arith.constant 0 : i32
    %dma_start3A_96 = arith.constant 0 : i32
    %dma_start3A_97 = tpu.memref_slice %arg8[%dma_start3A_95, %dma_start3A_96] : memref<256x256xf32, #tpu.memory_space<vmem>> -> memref<128x256xf32, #tpu.memory_space<vmem>>
    tpu.enqueue_dma source(%dma_start3A_97 : memref<128x256xf32, #tpu.memory_space<vmem>>) target(%dma_start3A_94 : memref<128x256xf32, #tpu.memory_space<hbm>>) target_semaphore(%arg10 : memref<!tpu.dma_semaphore, #tpu.memory_space<semaphore_mem>>)
    %add3A_98 = arith.constant 53 : i32
    %add3A_99 = arith.addi %add3A_98, %add3A_6 : i32
    %add3A_100 = arith.constant 128 : i32
    %add3A_101 = arith.addi %mul3A_12, %add3A_100 : i32
    %dma_start3A_102 = arith.constant 128 : i32
    %dma_start3A_103 = arith.constant 0 : i32
    %dma_start3A_104 = tpu.memref_slice %arg8[%dma_start3A_102, %dma_start3A_103] : memref<256x256xf32, #tpu.memory_space<vmem>> -> memref<128x256xf32, #tpu.memory_space<vmem>>
    %dma_start3A_105 = tpu.memref_slice %arg2[%add3A_99, %add3A_101, %mul3A_21] : memref<117x512x512xf32, #tpu.memory_space<hbm>> -> memref<1x128x256xf32, #tpu.memory_space<hbm>>
    %dma_start3A_106 = tpu.memref_squeeze %dma_start3A_105 : memref<1x128x256xf32, #tpu.memory_space<hbm>> -> memref<128x256xf32, #tpu.memory_space<hbm>>
    %dma_start3A_107 = tpu.memref_slice %arg2[%add3A_99, %add3A_101, %mul3A_21] : memref<117x512x512xf32, #tpu.memory_space<hbm>> -> memref<1x128x256xf32, #tpu.memory_space<hbm>>
    %dma_start3A_108 = tpu.memref_squeeze %dma_start3A_107 : memref<1x128x256xf32, #tpu.memory_space<hbm>> -> memref<128x256xf32, #tpu.memory_space<hbm>>
    %dma_start3A_109 = arith.constant 128 : i32
    %dma_start3A_110 = arith.constant 0 : i32
    %dma_start3A_111 = tpu.memref_slice %arg8[%dma_start3A_109, %dma_start3A_110] : memref<256x256xf32, #tpu.memory_space<vmem>> -> memref<128x256xf32, #tpu.memory_space<vmem>>
    tpu.enqueue_dma source(%dma_start3A_111 : memref<128x256xf32, #tpu.memory_space<vmem>>) target(%dma_start3A_108 : memref<128x256xf32, #tpu.memory_space<hbm>>) target_semaphore(%arg10 : memref<!tpu.dma_semaphore, #tpu.memory_space<semaphore_mem>>)
    %add3A_112 = arith.constant 53 : i32
    %add3A_113 = arith.addi %add3A_112, %add3A_6 : i32
    %add3A_114 = arith.constant 0 : i32
    %add3A_115 = arith.addi %mul3A_12, %add3A_114 : i32
    %dma_wait3A_116 = arith.constant 0 : i32
    %dma_wait3A_117 = arith.constant 0 : i32
    %dma_wait3A_118 = tpu.memref_slice %arg8[%dma_wait3A_116, %dma_wait3A_117] : memref<256x256xf32, #tpu.memory_space<vmem>> -> memref<128x256xf32, #tpu.memory_space<vmem>>
    %dma_wait3A_119 = tpu.memref_slice %arg2[%add3A_113, %add3A_115, %mul3A_21] : memref<117x512x512xf32, #tpu.memory_space<hbm>> -> memref<1x128x256xf32, #tpu.memory_space<hbm>>
    %dma_wait3A_120 = tpu.memref_squeeze %dma_wait3A_119 : memref<1x128x256xf32, #tpu.memory_space<hbm>> -> memref<128x256xf32, #tpu.memory_space<hbm>>
    %dma_wait3A_121 = tpu.memref_slice %arg2[%add3A_113, %add3A_115, %mul3A_21] : memref<117x512x512xf32, #tpu.memory_space<hbm>> -> memref<1x128x256xf32, #tpu.memory_space<hbm>>
    %dma_wait3A_122 = tpu.memref_squeeze %dma_wait3A_121 : memref<1x128x256xf32, #tpu.memory_space<hbm>> -> memref<128x256xf32, #tpu.memory_space<hbm>>
    %dma_wait3A_123 = arith.constant 0 : i32
    %dma_wait3A_124 = arith.constant 0 : i32
    %dma_wait3A_125 = tpu.memref_slice %arg8[%dma_wait3A_123, %dma_wait3A_124] : memref<256x256xf32, #tpu.memory_space<vmem>> -> memref<128x256xf32, #tpu.memory_space<vmem>>
    tpu.wait_dma2 semaphore(%arg10 : memref<!tpu.dma_semaphore, #tpu.memory_space<semaphore_mem>>) src(%dma_wait3A_125 : memref<128x256xf32, #tpu.memory_space<vmem>>) dst(%dma_wait3A_122 : memref<128x256xf32, #tpu.memory_space<hbm>>)
    %add3A_126 = arith.constant 53 : i32
    %add3A_127 = arith.addi %add3A_126, %add3A_6 : i32
    %add3A_128 = arith.constant 128 : i32
    %add3A_129 = arith.addi %mul3A_12, %add3A_128 : i32
    %dma_wait3A_130 = arith.constant 128 : i32
    %dma_wait3A_131 = arith.constant 0 : i32
    %dma_wait3A_132 = tpu.memref_slice %arg8[%dma_wait3A_130, %dma_wait3A_131] : memref<256x256xf32, #tpu.memory_space<vmem>> -> memref<128x256xf32, #tpu.memory_space<vmem>>
    %dma_wait3A_133 = tpu.memref_slice %arg2[%add3A_127, %add3A_129, %mul3A_21] : memref<117x512x512xf32, #tpu.memory_space<hbm>> -> memref<1x128x256xf32, #tpu.memory_space<hbm>>
    %dma_wait3A_134 = tpu.memref_squeeze %dma_wait3A_133 : memref<1x128x256xf32, #tpu.memory_space<hbm>> -> memref<128x256xf32, #tpu.memory_space<hbm>>
    %dma_wait3A_135 = tpu.memref_slice %arg2[%add3A_127, %add3A_129, %mul3A_21] : memref<117x512x512xf32, #tpu.memory_space<hbm>> -> memref<1x128x256xf32, #tpu.memory_space<hbm>>
    %dma_wait3A_136 = tpu.memref_squeeze %dma_wait3A_135 : memref<1x128x256xf32, #tpu.memory_space<hbm>> -> memref<128x256xf32, #tpu.memory_space<hbm>>
    %dma_wait3A_137 = arith.constant 128 : i32
    %dma_wait3A_138 = arith.constant 0 : i32
    %dma_wait3A_139 = tpu.memref_slice %arg8[%dma_wait3A_137, %dma_wait3A_138] : memref<256x256xf32, #tpu.memory_space<vmem>> -> memref<128x256xf32, #tpu.memory_space<vmem>>
    tpu.wait_dma2 semaphore(%arg10 : memref<!tpu.dma_semaphore, #tpu.memory_space<semaphore_mem>>) src(%dma_wait3A_139 : memref<128x256xf32, #tpu.memory_space<vmem>>) dst(%dma_wait3A_136 : memref<128x256xf32, #tpu.memory_space<hbm>>)
    %mul3A_140 = arith.constant 2 : i32
    %mul3A_141 = arith.muli %add3A, %mul3A_140 : i32
    %add3A_142 = arith.constant 1 : i32
    %add3A_143 = arith.addi %mul3A_141, %add3A_142 : i32
    %get3A_144 = arith.constant 0 : i32
    %get3A_145 = arith.index_cast %get3A_144 : i32 to index
    %get3A_146 = arith.index_cast %add3A_143 : i32 to index
    %get3A_147 = tpu.vector_load %arg7[%get3A_145, %get3A_146] {strides = array<i32>} : memref<2x80xi32, #tpu.memory_space<vmem>>, vector<1x16xi32>,
    %get3A_148 = vector.shape_cast %get3A_147 : vector<1x16xi32> to vector<16xi32>
    %slice3A_149 = vector.extract_strided_slice %get3A_148 {offsets = [0], sizes = [1], strides = [1]} : vector<16xi32> to vector<1xi32>
    %squeeze3A_150 = vector.extract %slice3A_149[0] : i32 from vector<1xi32>
    %mul3A_151 = arith.constant 128 : i32
    %mul3A_152 = arith.muli %squeeze3A_150, %mul3A_151 : i32
    %get3A_153 = arith.constant 1 : i32
    %get3A_154 = arith.index_cast %get3A_153 : i32 to index
    %get3A_155 = arith.index_cast %add3A_143 : i32 to index
    %get3A_156 = tpu.vector_load %arg7[%get3A_154, %get3A_155] {strides = array<i32>} : memref<2x80xi32, #tpu.memory_space<vmem>>, vector<1x16xi32>,
    %get3A_157 = vector.shape_cast %get3A_156 : vector<1x16xi32> to vector<16xi32>
    %slice3A_158 = vector.extract_strided_slice %get3A_157 {offsets = [0], sizes = [1], strides = [1]} : vector<16xi32> to vector<1xi32>
    %squeeze3A_159 = vector.extract %slice3A_158[0] : i32 from vector<1xi32>
    %mul3A_160 = arith.constant 128 : i32
    %mul3A_161 = arith.muli %squeeze3A_159, %mul3A_160 : i32
    %dma_start3A_162 = arith.constant 0 : i32
    %dma_start3A_163 = arith.constant 0 : i32
    %dma_start3A_164 = tpu.memref_slice %arg3[%add3A_143, %dma_start3A_162, %dma_start3A_163] : memref<64x256x256xf32, #tpu.memory_space<hbm>> -> memref<1x256x256xf32, #tpu.memory_space<hbm>>
    %dma_start3A_165 = tpu.memref_squeeze %dma_start3A_164 : memref<1x256x256xf32, #tpu.memory_space<hbm>> -> memref<256x256xf32, #tpu.memory_space<hbm>>
    %dma_start3A_166 = arith.constant 0 : i32
    %dma_start3A_167 = arith.constant 0 : i32
    %dma_start3A_168 = tpu.memref_slice %arg3[%add3A_143, %dma_start3A_166, %dma_start3A_167] : memref<64x256x256xf32, #tpu.memory_space<hbm>> -> memref<1x256x256xf32, #tpu.memory_space<hbm>>
    %dma_start3A_169 = tpu.memref_squeeze %dma_start3A_168 : memref<1x256x256xf32, #tpu.memory_space<hbm>> -> memref<256x256xf32, #tpu.memory_space<hbm>>
    tpu.enqueue_dma source(%dma_start3A_169 : memref<256x256xf32, #tpu.memory_space<hbm>>) target(%arg8 : memref<256x256xf32, #tpu.memory_space<vmem>>) target_semaphore(%arg10 : memref<!tpu.dma_semaphore, #tpu.memory_space<semaphore_mem>>)
    %add3A_170 = arith.constant 53 : i32
    %add3A_171 = arith.addi %add3A_170, %add3A_143 : i32
    %dma_start3A_172 = arith.constant 0 : i32
    %dma_start3A_173 = arith.constant 0 : i32
    %dma_start3A_174 = tpu.memref_slice %arg2[%add3A_171, %dma_start3A_172, %dma_start3A_173] : memref<117x512x512xf32, #tpu.memory_space<hbm>> -> memref<1x128x512xf32, #tpu.memory_space<hbm>>
    %dma_start3A_175 = tpu.memref_squeeze %dma_start3A_174 : memref<1x128x512xf32, #tpu.memory_space<hbm>> -> memref<128x512xf32, #tpu.memory_space<hbm>>
    tpu.enqueue_dma source(%arg9 : memref<128x512xf32, #tpu.memory_space<vmem_shared>>) target(%dma_start3A_175 : memref<128x512xf32, #tpu.memory_space<hbm>>) target_semaphore(%arg10 : memref<!tpu.dma_semaphore, #tpu.memory_space<semaphore_mem>>)
    %add3A_176 = arith.constant 53 : i32
    %add3A_177 = arith.addi %add3A_176, %add3A_143 : i32
    %dma_start3A_178 = arith.constant 128 : i32
    %dma_start3A_179 = arith.constant 0 : i32
    %dma_start3A_180 = tpu.memref_slice %arg2[%add3A_177, %dma_start3A_178, %dma_start3A_179] : memref<117x512x512xf32, #tpu.memory_space<hbm>> -> memref<1x128x512xf32, #tpu.memory_space<hbm>>
    %dma_start3A_181 = tpu.memref_squeeze %dma_start3A_180 : memref<1x128x512xf32, #tpu.memory_space<hbm>> -> memref<128x512xf32, #tpu.memory_space<hbm>>
    tpu.enqueue_dma source(%arg9 : memref<128x512xf32, #tpu.memory_space<vmem_shared>>) target(%dma_start3A_181 : memref<128x512xf32, #tpu.memory_space<hbm>>) target_semaphore(%arg10 : memref<!tpu.dma_semaphore, #tpu.memory_space<semaphore_mem>>)
    %add3A_182 = arith.constant 53 : i32
    %add3A_183 = arith.addi %add3A_182, %add3A_143 : i32
    %dma_start3A_184 = arith.constant 256 : i32
    %dma_start3A_185 = arith.constant 0 : i32
    %dma_start3A_186 = tpu.memref_slice %arg2[%add3A_183, %dma_start3A_184, %dma_start3A_185] : memref<117x512x512xf32, #tpu.memory_space<hbm>> -> memref<1x128x512xf32, #tpu.memory_space<hbm>>
    %dma_start3A_187 = tpu.memref_squeeze %dma_start3A_186 : memref<1x128x512xf32, #tpu.memory_space<hbm>> -> memref<128x512xf32, #tpu.memory_space<hbm>>
    tpu.enqueue_dma source(%arg9 : memref<128x512xf32, #tpu.memory_space<vmem_shared>>) target(%dma_start3A_187 : memref<128x512xf32, #tpu.memory_space<hbm>>) target_semaphore(%arg10 : memref<!tpu.dma_semaphore, #tpu.memory_space<semaphore_mem>>)
    %add3A_188 = arith.constant 53 : i32
    %add3A_189 = arith.addi %add3A_188, %add3A_143 : i32
    %dma_start3A_190 = arith.constant 384 : i32
    %dma_start3A_191 = arith.constant 0 : i32
    %dma_start3A_192 = tpu.memref_slice %arg2[%add3A_189, %dma_start3A_190, %dma_start3A_191] : memref<117x512x512xf32, #tpu.memory_space<hbm>> -> memref<1x128x512xf32, #tpu.memory_space<hbm>>
    %dma_start3A_193 = tpu.memref_squeeze %dma_start3A_192 : memref<1x128x512xf32, #tpu.memory_space<hbm>> -> memref<128x512xf32, #tpu.memory_space<hbm>>
    tpu.enqueue_dma source(%arg9 : memref<128x512xf32, #tpu.memory_space<vmem_shared>>) target(%dma_start3A_193 : memref<128x512xf32, #tpu.memory_space<hbm>>) target_semaphore(%arg10 : memref<!tpu.dma_semaphore, #tpu.memory_space<semaphore_mem>>)
    %add3A_194 = arith.constant 53 : i32
    %add3A_195 = arith.addi %add3A_194, %add3A_143 : i32
    %dma_wait3A_196 = arith.constant 0 : i32
    %dma_wait3A_197 = arith.constant 0 : i32
    %dma_wait3A_198 = tpu.memref_slice %arg2[%add3A_195, %dma_wait3A_196, %dma_wait3A_197] : memref<117x512x512xf32, #tpu.memory_space<hbm>> -> memref<1x128x512xf32, #tpu.memory_space<hbm>>
    %dma_wait3A_199 = tpu.memref_squeeze %dma_wait3A_198 : memref<1x128x512xf32, #tpu.memory_space<hbm>> -> memref<128x512xf32, #tpu.memory_space<hbm>>
    tpu.wait_dma2 semaphore(%arg10 : memref<!tpu.dma_semaphore, #tpu.memory_space<semaphore_mem>>) src(%arg9 : memref<128x512xf32, #tpu.memory_space<vmem_shared>>) dst(%dma_wait3A_199 : memref<128x512xf32, #tpu.memory_space<hbm>>)
    %add3A_200 = arith.constant 53 : i32
    %add3A_201 = arith.addi %add3A_200, %add3A_143 : i32
    %dma_wait3A_202 = arith.constant 128 : i32
    %dma_wait3A_203 = arith.constant 0 : i32
    %dma_wait3A_204 = tpu.memref_slice %arg2[%add3A_201, %dma_wait3A_202, %dma_wait3A_203] : memref<117x512x512xf32, #tpu.memory_space<hbm>> -> memref<1x128x512xf32, #tpu.memory_space<hbm>>
    %dma_wait3A_205 = tpu.memref_squeeze %dma_wait3A_204 : memref<1x128x512xf32, #tpu.memory_space<hbm>> -> memref<128x512xf32, #tpu.memory_space<hbm>>
    tpu.wait_dma2 semaphore(%arg10 : memref<!tpu.dma_semaphore, #tpu.memory_space<semaphore_mem>>) src(%arg9 : memref<128x512xf32, #tpu.memory_space<vmem_shared>>) dst(%dma_wait3A_205 : memref<128x512xf32, #tpu.memory_space<hbm>>)
    %add3A_206 = arith.constant 53 : i32
    %add3A_207 = arith.addi %add3A_206, %add3A_143 : i32
    %dma_wait3A_208 = arith.constant 256 : i32
    %dma_wait3A_209 = arith.constant 0 : i32
    %dma_wait3A_210 = tpu.memref_slice %arg2[%add3A_207, %dma_wait3A_208, %dma_wait3A_209] : memref<117x512x512xf32, #tpu.memory_space<hbm>> -> memref<1x128x512xf32, #tpu.memory_space<hbm>>
    %dma_wait3A_211 = tpu.memref_squeeze %dma_wait3A_210 : memref<1x128x512xf32, #tpu.memory_space<hbm>> -> memref<128x512xf32, #tpu.memory_space<hbm>>
    tpu.wait_dma2 semaphore(%arg10 : memref<!tpu.dma_semaphore, #tpu.memory_space<semaphore_mem>>) src(%arg9 : memref<128x512xf32, #tpu.memory_space<vmem_shared>>) dst(%dma_wait3A_211 : memref<128x512xf32, #tpu.memory_space<hbm>>)
    %add3A_212 = arith.constant 53 : i32
    %add3A_213 = arith.addi %add3A_212, %add3A_143 : i32
    %dma_wait3A_214 = arith.constant 384 : i32
    %dma_wait3A_215 = arith.constant 0 : i32
    %dma_wait3A_216 = tpu.memref_slice %arg2[%add3A_213, %dma_wait3A_214, %dma_wait3A_215] : memref<117x512x512xf32, #tpu.memory_space<hbm>> -> memref<1x128x512xf32, #tpu.memory_space<hbm>>
    %dma_wait3A_217 = tpu.memref_squeeze %dma_wait3A_216 : memref<1x128x512xf32, #tpu.memory_space<hbm>> -> memref<128x512xf32, #tpu.memory_space<hbm>>
    tpu.wait_dma2 semaphore(%arg10 : memref<!tpu.dma_semaphore, #tpu.memory_space<semaphore_mem>>) src(%arg9 : memref<128x512xf32, #tpu.memory_space<vmem_shared>>) dst(%dma_wait3A_217 : memref<128x512xf32, #tpu.memory_space<hbm>>)
    %dma_wait3A_218 = arith.constant 0 : i32
    %dma_wait3A_219 = arith.constant 0 : i32
    %dma_wait3A_220 = tpu.memref_slice %arg3[%add3A_143, %dma_wait3A_218, %dma_wait3A_219] : memref<64x256x256xf32, #tpu.memory_space<hbm>> -> memref<1x256x256xf32, #tpu.memory_space<hbm>>
    %dma_wait3A_221 = tpu.memref_squeeze %dma_wait3A_220 : memref<1x256x256xf32, #tpu.memory_space<hbm>> -> memref<256x256xf32, #tpu.memory_space<hbm>>
    %dma_wait3A_222 = arith.constant 0 : i32
    %dma_wait3A_223 = arith.constant 0 : i32
    %dma_wait3A_224 = tpu.memref_slice %arg3[%add3A_143, %dma_wait3A_222, %dma_wait3A_223] : memref<64x256x256xf32, #tpu.memory_space<hbm>> -> memref<1x256x256xf32, #tpu.memory_space<hbm>>
    %dma_wait3A_225 = tpu.memref_squeeze %dma_wait3A_224 : memref<1x256x256xf32, #tpu.memory_space<hbm>> -> memref<256x256xf32, #tpu.memory_space<hbm>>
    tpu.wait_dma2 semaphore(%arg10 : memref<!tpu.dma_semaphore, #tpu.memory_space<semaphore_mem>>) src(%dma_wait3A_225 : memref<256x256xf32, #tpu.memory_space<hbm>>) dst(%arg8 : memref<256x256xf32, #tpu.memory_space<vmem>>)
    %add3A_226 = arith.constant 53 : i32
    %add3A_227 = arith.addi %add3A_226, %add3A_143 : i32
    %add3A_228 = arith.constant 0 : i32
    %add3A_229 = arith.addi %mul3A_152, %add3A_228 : i32
    %dma_start3A_230 = arith.constant 0 : i32
    %dma_start3A_231 = arith.constant 0 : i32
    %dma_start3A_232 = tpu.memref_slice %arg8[%dma_start3A_230, %dma_start3A_231] : memref<256x256xf32, #tpu.memory_space<vmem>> -> memref<128x256xf32, #tpu.memory_space<vmem>>
    %dma_start3A_233 = tpu.memref_slice %arg2[%add3A_227, %add3A_229, %mul3A_161] : memref<117x512x512xf32, #tpu.memory_space<hbm>> -> memref<1x128x256xf32, #tpu.memory_space<hbm>>
    %dma_start3A_234 = tpu.memref_squeeze %dma_start3A_233 : memref<1x128x256xf32, #tpu.memory_space<hbm>> -> memref<128x256xf32, #tpu.memory_space<hbm>>
    %dma_start3A_235 = tpu.memref_slice %arg2[%add3A_227, %add3A_229, %mul3A_161] : memref<117x512x512xf32, #tpu.memory_space<hbm>> -> memref<1x128x256xf32, #tpu.memory_space<hbm>>
    %dma_start3A_236 = tpu.memref_squeeze %dma_start3A_235 : memref<1x128x256xf32, #tpu.memory_space<hbm>> -> memref<128x256xf32, #tpu.memory_space<hbm>>
    %dma_start3A_237 = arith.constant 0 : i32
    %dma_start3A_238 = arith.constant 0 : i32
    %dma_start3A_239 = tpu.memref_slice %arg8[%dma_start3A_237, %dma_start3A_238] : memref<256x256xf32, #tpu.memory_space<vmem>> -> memref<128x256xf32, #tpu.memory_space<vmem>>
    tpu.enqueue_dma source(%dma_start3A_239 : memref<128x256xf32, #tpu.memory_space<vmem>>) target(%dma_start3A_236 : memref<128x256xf32, #tpu.memory_space<hbm>>) target_semaphore(%arg10 : memref<!tpu.dma_semaphore, #tpu.memory_space<semaphore_mem>>)
    %add3A_240 = arith.constant 53 : i32
    %add3A_241 = arith.addi %add3A_240, %add3A_143 : i32
    %add3A_242 = arith.constant 128 : i32
    %add3A_243 = arith.addi %mul3A_152, %add3A_242 : i32
    %dma_start3A_244 = arith.constant 128 : i32
    %dma_start3A_245 = arith.constant 0 : i32
    %dma_start3A_246 = tpu.memref_slice %arg8[%dma_start3A_244, %dma_start3A_245] : memref<256x256xf32, #tpu.memory_space<vmem>> -> memref<128x256xf32, #tpu.memory_space<vmem>>
    %dma_start3A_247 = tpu.memref_slice %arg2[%add3A_241, %add3A_243, %mul3A_161] : memref<117x512x512xf32, #tpu.memory_space<hbm>> -> memref<1x128x256xf32, #tpu.memory_space<hbm>>
    %dma_start3A_248 = tpu.memref_squeeze %dma_start3A_247 : memref<1x128x256xf32, #tpu.memory_space<hbm>> -> memref<128x256xf32, #tpu.memory_space<hbm>>
    %dma_start3A_249 = tpu.memref_slice %arg2[%add3A_241, %add3A_243, %mul3A_161] : memref<117x512x512xf32, #tpu.memory_space<hbm>> -> memref<1x128x256xf32, #tpu.memory_space<hbm>>
    %dma_start3A_250 = tpu.memref_squeeze %dma_start3A_249 : memref<1x128x256xf32, #tpu.memory_space<hbm>> -> memref<128x256xf32, #tpu.memory_space<hbm>>
    %dma_start3A_251 = arith.constant 128 : i32
    %dma_start3A_252 = arith.constant 0 : i32
    %dma_start3A_253 = tpu.memref_slice %arg8[%dma_start3A_251, %dma_start3A_252] : memref<256x256xf32, #tpu.memory_space<vmem>> -> memref<128x256xf32, #tpu.memory_space<vmem>>
    tpu.enqueue_dma source(%dma_start3A_253 : memref<128x256xf32, #tpu.memory_space<vmem>>) target(%dma_start3A_250 : memref<128x256xf32, #tpu.memory_space<hbm>>) target_semaphore(%arg10 : memref<!tpu.dma_semaphore, #tpu.memory_space<semaphore_mem>>)
    %add3A_254 = arith.constant 53 : i32
    %add3A_255 = arith.addi %add3A_254, %add3A_143 : i32
    %add3A_256 = arith.constant 0 : i32
    %add3A_257 = arith.addi %mul3A_152, %add3A_256 : i32
    %dma_wait3A_258 = arith.constant 0 : i32
    %dma_wait3A_259 = arith.constant 0 : i32
    %dma_wait3A_260 = tpu.memref_slice %arg8[%dma_wait3A_258, %dma_wait3A_259] : memref<256x256xf32, #tpu.memory_space<vmem>> -> memref<128x256xf32, #tpu.memory_space<vmem>>
    %dma_wait3A_261 = tpu.memref_slice %arg2[%add3A_255, %add3A_257, %mul3A_161] : memref<117x512x512xf32, #tpu.memory_space<hbm>> -> memref<1x128x256xf32, #tpu.memory_space<hbm>>
    %dma_wait3A_262 = tpu.memref_squeeze %dma_wait3A_261 : memref<1x128x256xf32, #tpu.memory_space<hbm>> -> memref<128x256xf32, #tpu.memory_space<hbm>>
    %dma_wait3A_263 = tpu.memref_slice %arg2[%add3A_255, %add3A_257, %mul3A_161] : memref<117x512x512xf32, #tpu.memory_space<hbm>> -> memref<1x128x256xf32, #tpu.memory_space<hbm>>
    %dma_wait3A_264 = tpu.memref_squeeze %dma_wait3A_263 : memref<1x128x256xf32, #tpu.memory_space<hbm>> -> memref<128x256xf32, #tpu.memory_space<hbm>>
    %dma_wait3A_265 = arith.constant 0 : i32
    %dma_wait3A_266 = arith.constant 0 : i32
    %dma_wait3A_267 = tpu.memref_slice %arg8[%dma_wait3A_265, %dma_wait3A_266] : memref<256x256xf32, #tpu.memory_space<vmem>> -> memref<128x256xf32, #tpu.memory_space<vmem>>
    tpu.wait_dma2 semaphore(%arg10 : memref<!tpu.dma_semaphore, #tpu.memory_space<semaphore_mem>>) src(%dma_wait3A_267 : memref<128x256xf32, #tpu.memory_space<vmem>>) dst(%dma_wait3A_264 : memref<128x256xf32, #tpu.memory_space<hbm>>)
    %add3A_268 = arith.constant 53 : i32
    %add3A_269 = arith.addi %add3A_268, %add3A_143 : i32
    %add3A_270 = arith.constant 128 : i32
    %add3A_271 = arith.addi %mul3A_152, %add3A_270 : i32
    %dma_wait3A_272 = arith.constant 128 : i32
    %dma_wait3A_273 = arith.constant 0 : i32
    %dma_wait3A_274 = tpu.memref_slice %arg8[%dma_wait3A_272, %dma_wait3A_273] : memref<256x256xf32, #tpu.memory_space<vmem>> -> memref<128x256xf32, #tpu.memory_space<vmem>>
    %dma_wait3A_275 = tpu.memref_slice %arg2[%add3A_269, %add3A_271, %mul3A_161] : memref<117x512x512xf32, #tpu.memory_space<hbm>> -> memref<1x128x256xf32, #tpu.memory_space<hbm>>
    %dma_wait3A_276 = tpu.memref_squeeze %dma_wait3A_275 : memref<1x128x256xf32, #tpu.memory_space<hbm>> -> memref<128x256xf32, #tpu.memory_space<hbm>>
    %dma_wait3A_277 = tpu.memref_slice %arg2[%add3A_269, %add3A_271, %mul3A_161] : memref<117x512x512xf32, #tpu.memory_space<hbm>> -> memref<1x128x256xf32, #tpu.memory_space<hbm>>
    %dma_wait3A_278 = tpu.memref_squeeze %dma_wait3A_277 : memref<1x128x256xf32, #tpu.memory_space<hbm>> -> memref<128x256xf32, #tpu.memory_space<hbm>>
    %dma_wait3A_279 = arith.constant 128 : i32
    %dma_wait3A_280 = arith.constant 0 : i32
    %dma_wait3A_281 = tpu.memref_slice %arg8[%dma_wait3A_279, %dma_wait3A_280] : memref<256x256xf32, #tpu.memory_space<vmem>> -> memref<128x256xf32, #tpu.memory_space<vmem>>
    tpu.wait_dma2 semaphore(%arg10 : memref<!tpu.dma_semaphore, #tpu.memory_space<semaphore_mem>>) src(%dma_wait3A_281 : memref<128x256xf32, #tpu.memory_space<vmem>>) dst(%dma_wait3A_278 : memref<128x256xf32, #tpu.memory_space<hbm>>)
    return
  }
}

module attributes {stable_mosaic.version = 14 : i64} {
  func.func @_body(%arg0: i32, %arg1: memref<64xi32, #tpu.memory_space<smem>>, %arg2: memref<9x64xi32, #tpu.memory_space<smem>>, %arg3: memref<133x512x512xf32, #tpu.memory_space<any>>, %arg4: memref<64x100x100xf32, #tpu.memory_space<any>>, %arg5: memref<117x512x512xf32, #tpu.memory_space<any>>, %arg6: memref<1x256x256xf32, #tpu.memory_space<vmem>>, %arg7: memref<64x256x256xf32, #tpu.memory_space<vmem>>, %arg8: memref<8x512x512xf32, #tpu.memory_space<vmem>>, %arg9: memref<64x100x100xf32, #tpu.memory_space<vmem>>, %arg10: memref<8x!tpu.dma_semaphore, #tpu.memory_space<semaphore_mem>>, %arg11: memref<8x!tpu.dma_semaphore, #tpu.memory_space<semaphore_mem>>, %arg12: memref<64x!tpu.dma_semaphore, #tpu.memory_space<semaphore_mem>>, %arg13: memref<!tpu.dma_semaphore, #tpu.memory_space<semaphore_mem>>) attributes {dimension_semantics = [#tpu.dimension_semantics<arbitrary>], iteration_bounds = array<i64: 64>, scalar_prefetch = 2 : i64, scratch_operands = 7 : i64, tpu.core_type = #tpu.core_type<tc>, window_params = [{}, {}, {}, {transform_indices = @transform_3, window_bounds = array<i64: 1, 256, 256>}]} {
    %eq3A = arith.constant 0 : i32
    %eq3A_0 = arith.cmpi eq, %arg0, %eq3A : i32
    %convert_element_type3A = arith.extui %eq3A_0 : i1 to i32
    %cond3A = arith.constant 0 : i32
    %cond3A_1 = arith.cmpi ne, %convert_element_type3A, %cond3A : i32
    scf.if %cond3A_1 {
      tpu.enqueue_dma source(%arg4 : memref<64x100x100xf32, #tpu.memory_space<any>>) target(%arg9 : memref<64x100x100xf32, #tpu.memory_space<vmem>>) target_semaphore(%arg13 : memref<!tpu.dma_semaphore, #tpu.memory_space<semaphore_mem>>)
      %get3A_231 = arith.constant 6 : index
      %get3A_232 = arith.constant 0 : index
      %get3A_233 = memref.load %arg2[%get3A_231, %get3A_232] : memref<9x64xi32, #tpu.memory_space<smem>>
      %multiple_of3A_234 = tpu.assume_multiple %get3A_233, 128 : i32
      %get3A_235 = arith.constant 7 : index
      %get3A_236 = arith.constant 0 : index
      %get3A_237 = memref.load %arg2[%get3A_235, %get3A_236] : memref<9x64xi32, #tpu.memory_space<smem>>
      %multiple_of3A_238 = tpu.assume_multiple %get3A_237, 128 : i32
      %get3A_239 = arith.constant 0 : index
      %get3A_240 = memref.load %arg1[%get3A_239] : memref<64xi32, #tpu.memory_space<smem>>
      %dma_start3A = arith.constant 0 : i32
      %dma_start3A_241 = arith.constant 0 : i32
      %dma_start3A_242 = tpu.memref_slice %arg12[%dma_start3A_241] : memref<64x!tpu.dma_semaphore, #tpu.memory_space<semaphore_mem>> -> memref<1x!tpu.dma_semaphore, #tpu.memory_space<semaphore_mem>>
      %dma_start3A_243 = tpu.memref_squeeze %dma_start3A_242 : memref<1x!tpu.dma_semaphore, #tpu.memory_space<semaphore_mem>> -> memref<!tpu.dma_semaphore, #tpu.memory_space<semaphore_mem>>
      %dma_start3A_244 = arith.constant 0 : i32
      %dma_start3A_245 = arith.constant 0 : i32
      %dma_start3A_246 = tpu.memref_slice %arg7[%dma_start3A, %dma_start3A_244, %dma_start3A_245] : memref<64x256x256xf32, #tpu.memory_space<vmem>> -> memref<1x256x256xf32, #tpu.memory_space<vmem>>
      %dma_start3A_247 = tpu.memref_squeeze %dma_start3A_246 : memref<1x256x256xf32, #tpu.memory_space<vmem>> -> memref<256x256xf32, #tpu.memory_space<vmem>>
      %dma_start3A_248 = tpu.memref_slice %arg3[%get3A_240, %multiple_of3A_234, %multiple_of3A_238] : memref<133x512x512xf32, #tpu.memory_space<any>> -> memref<1x256x256xf32, #tpu.memory_space<any>>
      %dma_start3A_249 = tpu.memref_squeeze %dma_start3A_248 : memref<1x256x256xf32, #tpu.memory_space<any>> -> memref<256x256xf32, #tpu.memory_space<any>>
      tpu.enqueue_dma source(%dma_start3A_249 : memref<256x256xf32, #tpu.memory_space<any>>) target(%dma_start3A_247 : memref<256x256xf32, #tpu.memory_space<vmem>>) target_semaphore(%dma_start3A_243 : memref<!tpu.dma_semaphore, #tpu.memory_space<semaphore_mem>>)
      %get3A_250 = arith.constant 6 : index
      %get3A_251 = arith.constant 1 : index
      %get3A_252 = memref.load %arg2[%get3A_250, %get3A_251] : memref<9x64xi32, #tpu.memory_space<smem>>
      %multiple_of3A_253 = tpu.assume_multiple %get3A_252, 128 : i32
      %get3A_254 = arith.constant 7 : index
      %get3A_255 = arith.constant 1 : index
      %get3A_256 = memref.load %arg2[%get3A_254, %get3A_255] : memref<9x64xi32, #tpu.memory_space<smem>>
      %multiple_of3A_257 = tpu.assume_multiple %get3A_256, 128 : i32
      %get3A_258 = arith.constant 1 : index
      %get3A_259 = memref.load %arg1[%get3A_258] : memref<64xi32, #tpu.memory_space<smem>>
      %dma_start3A_260 = arith.constant 1 : i32
      %dma_start3A_261 = arith.constant 1 : i32
      %dma_start3A_262 = tpu.memref_slice %arg12[%dma_start3A_261] : memref<64x!tpu.dma_semaphore, #tpu.memory_space<semaphore_mem>> -> memref<1x!tpu.dma_semaphore, #tpu.memory_space<semaphore_mem>>
      %dma_start3A_263 = tpu.memref_squeeze %dma_start3A_262 : memref<1x!tpu.dma_semaphore, #tpu.memory_space<semaphore_mem>> -> memref<!tpu.dma_semaphore, #tpu.memory_space<semaphore_mem>>
      %dma_start3A_264 = arith.constant 0 : i32
      %dma_start3A_265 = arith.constant 0 : i32
      %dma_start3A_266 = tpu.memref_slice %arg7[%dma_start3A_260, %dma_start3A_264, %dma_start3A_265] : memref<64x256x256xf32, #tpu.memory_space<vmem>> -> memref<1x256x256xf32, #tpu.memory_space<vmem>>
      %dma_start3A_267 = tpu.memref_squeeze %dma_start3A_266 : memref<1x256x256xf32, #tpu.memory_space<vmem>> -> memref<256x256xf32, #tpu.memory_space<vmem>>
      %dma_start3A_268 = tpu.memref_slice %arg3[%get3A_259, %multiple_of3A_253, %multiple_of3A_257] : memref<133x512x512xf32, #tpu.memory_space<any>> -> memref<1x256x256xf32, #tpu.memory_space<any>>
      %dma_start3A_269 = tpu.memref_squeeze %dma_start3A_268 : memref<1x256x256xf32, #tpu.memory_space<any>> -> memref<256x256xf32, #tpu.memory_space<any>>
      tpu.enqueue_dma source(%dma_start3A_269 : memref<256x256xf32, #tpu.memory_space<any>>) target(%dma_start3A_267 : memref<256x256xf32, #tpu.memory_space<vmem>>) target_semaphore(%dma_start3A_263 : memref<!tpu.dma_semaphore, #tpu.memory_space<semaphore_mem>>)
      %get3A_270 = arith.constant 6 : index
      %get3A_271 = arith.constant 2 : index
      %get3A_272 = memref.load %arg2[%get3A_270, %get3A_271] : memref<9x64xi32, #tpu.memory_space<smem>>
      %multiple_of3A_273 = tpu.assume_multiple %get3A_272, 128 : i32
      %get3A_274 = arith.constant 7 : index
      %get3A_275 = arith.constant 2 : index
      %get3A_276 = memref.load %arg2[%get3A_274, %get3A_275] : memref<9x64xi32, #tpu.memory_space<smem>>
      %multiple_of3A_277 = tpu.assume_multiple %get3A_276, 128 : i32
      %get3A_278 = arith.constant 2 : index
      %get3A_279 = memref.load %arg1[%get3A_278] : memref<64xi32, #tpu.memory_space<smem>>
      %dma_start3A_280 = arith.constant 2 : i32
      %dma_start3A_281 = arith.constant 2 : i32
      %dma_start3A_282 = tpu.memref_slice %arg12[%dma_start3A_281] : memref<64x!tpu.dma_semaphore, #tpu.memory_space<semaphore_mem>> -> memref<1x!tpu.dma_semaphore, #tpu.memory_space<semaphore_mem>>
      %dma_start3A_283 = tpu.memref_squeeze %dma_start3A_282 : memref<1x!tpu.dma_semaphore, #tpu.memory_space<semaphore_mem>> -> memref<!tpu.dma_semaphore, #tpu.memory_space<semaphore_mem>>
      %dma_start3A_284 = arith.constant 0 : i32
      %dma_start3A_285 = arith.constant 0 : i32
      %dma_start3A_286 = tpu.memref_slice %arg7[%dma_start3A_280, %dma_start3A_284, %dma_start3A_285] : memref<64x256x256xf32, #tpu.memory_space<vmem>> -> memref<1x256x256xf32, #tpu.memory_space<vmem>>
      %dma_start3A_287 = tpu.memref_squeeze %dma_start3A_286 : memref<1x256x256xf32, #tpu.memory_space<vmem>> -> memref<256x256xf32, #tpu.memory_space<vmem>>
      %dma_start3A_288 = tpu.memref_slice %arg3[%get3A_279, %multiple_of3A_273, %multiple_of3A_277] : memref<133x512x512xf32, #tpu.memory_space<any>> -> memref<1x256x256xf32, #tpu.memory_space<any>>
      %dma_start3A_289 = tpu.memref_squeeze %dma_start3A_288 : memref<1x256x256xf32, #tpu.memory_space<any>> -> memref<256x256xf32, #tpu.memory_space<any>>
      tpu.enqueue_dma source(%dma_start3A_289 : memref<256x256xf32, #tpu.memory_space<any>>) target(%dma_start3A_287 : memref<256x256xf32, #tpu.memory_space<vmem>>) target_semaphore(%dma_start3A_283 : memref<!tpu.dma_semaphore, #tpu.memory_space<semaphore_mem>>)
      %get3A_290 = arith.constant 6 : index
      %get3A_291 = arith.constant 3 : index
      %get3A_292 = memref.load %arg2[%get3A_290, %get3A_291] : memref<9x64xi32, #tpu.memory_space<smem>>
      %multiple_of3A_293 = tpu.assume_multiple %get3A_292, 128 : i32
      %get3A_294 = arith.constant 7 : index
      %get3A_295 = arith.constant 3 : index
      %get3A_296 = memref.load %arg2[%get3A_294, %get3A_295] : memref<9x64xi32, #tpu.memory_space<smem>>
      %multiple_of3A_297 = tpu.assume_multiple %get3A_296, 128 : i32
      %get3A_298 = arith.constant 3 : index
      %get3A_299 = memref.load %arg1[%get3A_298] : memref<64xi32, #tpu.memory_space<smem>>
      %dma_start3A_300 = arith.constant 3 : i32
      %dma_start3A_301 = arith.constant 3 : i32
      %dma_start3A_302 = tpu.memref_slice %arg12[%dma_start3A_301] : memref<64x!tpu.dma_semaphore, #tpu.memory_space<semaphore_mem>> -> memref<1x!tpu.dma_semaphore, #tpu.memory_space<semaphore_mem>>
      %dma_start3A_303 = tpu.memref_squeeze %dma_start3A_302 : memref<1x!tpu.dma_semaphore, #tpu.memory_space<semaphore_mem>> -> memref<!tpu.dma_semaphore, #tpu.memory_space<semaphore_mem>>
      %dma_start3A_304 = arith.constant 0 : i32
      %dma_start3A_305 = arith.constant 0 : i32
      %dma_start3A_306 = tpu.memref_slice %arg7[%dma_start3A_300, %dma_start3A_304, %dma_start3A_305] : memref<64x256x256xf32, #tpu.memory_space<vmem>> -> memref<1x256x256xf32, #tpu.memory_space<vmem>>
      %dma_start3A_307 = tpu.memref_squeeze %dma_start3A_306 : memref<1x256x256xf32, #tpu.memory_space<vmem>> -> memref<256x256xf32, #tpu.memory_space<vmem>>
      %dma_start3A_308 = tpu.memref_slice %arg3[%get3A_299, %multiple_of3A_293, %multiple_of3A_297] : memref<133x512x512xf32, #tpu.memory_space<any>> -> memref<1x256x256xf32, #tpu.memory_space<any>>
      %dma_start3A_309 = tpu.memref_squeeze %dma_start3A_308 : memref<1x256x256xf32, #tpu.memory_space<any>> -> memref<256x256xf32, #tpu.memory_space<any>>
      tpu.enqueue_dma source(%dma_start3A_309 : memref<256x256xf32, #tpu.memory_space<any>>) target(%dma_start3A_307 : memref<256x256xf32, #tpu.memory_space<vmem>>) target_semaphore(%dma_start3A_303 : memref<!tpu.dma_semaphore, #tpu.memory_space<semaphore_mem>>)
    } else {
    }
    %lt3A = arith.constant 60 : i32
    %lt3A_2 = arith.cmpi slt, %arg0, %lt3A : i32
    %convert_element_type3A_3 = arith.extui %lt3A_2 : i1 to i32
    %cond3A_4 = arith.constant 0 : i32
    %cond3A_5 = arith.cmpi ne, %convert_element_type3A_3, %cond3A_4 : i32
    scf.if %cond3A_5 {
      %add3A_231 = arith.constant 4 : i32
      %add3A_232 = arith.addi %arg0, %add3A_231 : i32
      %get3A_233 = arith.constant 6 : index
      %get3A_234 = arith.index_cast %add3A_232 : i32 to index
      %get3A_235 = memref.load %arg2[%get3A_233, %get3A_234] : memref<9x64xi32, #tpu.memory_space<smem>>
      %multiple_of3A_236 = tpu.assume_multiple %get3A_235, 128 : i32
      %get3A_237 = arith.constant 7 : index
      %get3A_238 = arith.index_cast %add3A_232 : i32 to index
      %get3A_239 = memref.load %arg2[%get3A_237, %get3A_238] : memref<9x64xi32, #tpu.memory_space<smem>>
      %multiple_of3A_240 = tpu.assume_multiple %get3A_239, 128 : i32
      %get3A_241 = arith.index_cast %add3A_232 : i32 to index
      %get3A_242 = memref.load %arg1[%get3A_241] : memref<64xi32, #tpu.memory_space<smem>>
      %dma_start3A = tpu.memref_slice %arg12[%add3A_232] : memref<64x!tpu.dma_semaphore, #tpu.memory_space<semaphore_mem>> -> memref<1x!tpu.dma_semaphore, #tpu.memory_space<semaphore_mem>>
      %dma_start3A_243 = tpu.memref_squeeze %dma_start3A : memref<1x!tpu.dma_semaphore, #tpu.memory_space<semaphore_mem>> -> memref<!tpu.dma_semaphore, #tpu.memory_space<semaphore_mem>>
      %dma_start3A_244 = arith.constant 0 : i32
      %dma_start3A_245 = arith.constant 0 : i32
      %dma_start3A_246 = tpu.memref_slice %arg7[%add3A_232, %dma_start3A_244, %dma_start3A_245] : memref<64x256x256xf32, #tpu.memory_space<vmem>> -> memref<1x256x256xf32, #tpu.memory_space<vmem>>
      %dma_start3A_247 = tpu.memref_squeeze %dma_start3A_246 : memref<1x256x256xf32, #tpu.memory_space<vmem>> -> memref<256x256xf32, #tpu.memory_space<vmem>>
      %dma_start3A_248 = tpu.memref_slice %arg3[%get3A_242, %multiple_of3A_236, %multiple_of3A_240] : memref<133x512x512xf32, #tpu.memory_space<any>> -> memref<1x256x256xf32, #tpu.memory_space<any>>
      %dma_start3A_249 = tpu.memref_squeeze %dma_start3A_248 : memref<1x256x256xf32, #tpu.memory_space<any>> -> memref<256x256xf32, #tpu.memory_space<any>>
      tpu.enqueue_dma source(%dma_start3A_249 : memref<256x256xf32, #tpu.memory_space<any>>) target(%dma_start3A_247 : memref<256x256xf32, #tpu.memory_space<vmem>>) target_semaphore(%dma_start3A_243 : memref<!tpu.dma_semaphore, #tpu.memory_space<semaphore_mem>>)
    } else {
    }
    %ge3A = arith.constant 8 : i32
    %ge3A_6 = arith.cmpi sge, %arg0, %ge3A : i32
    %lt3A_7 = arith.constant 61 : i32
    %lt3A_8 = arith.cmpi slt, %arg0, %lt3A_7 : i32
    %and3A = arith.andi %ge3A_6, %lt3A_8 : i1
    %convert_element_type3A_9 = arith.extui %and3A : i1 to i32
    %cond3A_10 = arith.constant 0 : i32
    %cond3A_11 = arith.cmpi ne, %convert_element_type3A_9, %cond3A_10 : i32
    scf.if %cond3A_11 {
      %sub3A_231 = arith.constant 8 : i32
      %sub3A_232 = arith.subi %arg0, %sub3A_231 : i32
      %rem3A = arith.constant 8 : i32
      %rem3A_233 = arith.remsi %sub3A_232, %rem3A : i32
      %rem3A_234 = arith.constant 8 : i32
      %rem3A_235 = arith.remsi %sub3A_232, %rem3A_234 : i32
      %dma_wait3A_236 = tpu.memref_slice %arg11[%rem3A_235] : memref<8x!tpu.dma_semaphore, #tpu.memory_space<semaphore_mem>> -> memref<1x!tpu.dma_semaphore, #tpu.memory_space<semaphore_mem>>
      %dma_wait3A_237 = tpu.memref_squeeze %dma_wait3A_236 : memref<1x!tpu.dma_semaphore, #tpu.memory_space<semaphore_mem>> -> memref<!tpu.dma_semaphore, #tpu.memory_space<semaphore_mem>>
      %dma_wait3A_238 = arith.constant 0 : i32
      %dma_wait3A_239 = arith.constant 0 : i32
      %dma_wait3A_240 = tpu.memref_slice %arg5[%sub3A_232, %dma_wait3A_238, %dma_wait3A_239] : memref<117x512x512xf32, #tpu.memory_space<any>> -> memref<1x512x512xf32, #tpu.memory_space<any>>
      %dma_wait3A_241 = tpu.memref_squeeze %dma_wait3A_240 : memref<1x512x512xf32, #tpu.memory_space<any>> -> memref<512x512xf32, #tpu.memory_space<any>>
      %dma_wait3A_242 = arith.constant 0 : i32
      %dma_wait3A_243 = arith.constant 0 : i32
      %dma_wait3A_244 = tpu.memref_slice %arg8[%rem3A_233, %dma_wait3A_242, %dma_wait3A_243] : memref<8x512x512xf32, #tpu.memory_space<vmem>> -> memref<1x512x512xf32, #tpu.memory_space<vmem>>
      %dma_wait3A_245 = tpu.memref_squeeze %dma_wait3A_244 : memref<1x512x512xf32, #tpu.memory_space<vmem>> -> memref<512x512xf32, #tpu.memory_space<vmem>>
      tpu.wait_dma2 semaphore(%dma_wait3A_237 : memref<!tpu.dma_semaphore, #tpu.memory_space<semaphore_mem>>) src(%dma_wait3A_245 : memref<512x512xf32, #tpu.memory_space<vmem>>) dst(%dma_wait3A_241 : memref<512x512xf32, #tpu.memory_space<any>>)
    } else {
    }
    %lt3A_12 = arith.constant 53 : i32
    %lt3A_13 = arith.cmpi slt, %arg0, %lt3A_12 : i32
    %convert_element_type3A_14 = arith.extui %lt3A_13 : i1 to i32
    %cond3A_15 = arith.constant 0 : i32
    %cond3A_16 = arith.cmpi ne, %convert_element_type3A_14, %cond3A_15 : i32
    scf.if %cond3A_16 {
      %rem3A = arith.constant 8 : i32
      %rem3A_231 = arith.remsi %arg0, %rem3A : i32
      %rem3A_232 = arith.constant 8 : i32
      %rem3A_233 = arith.remsi %arg0, %rem3A_232 : i32
      %dma_start3A = tpu.memref_slice %arg10[%rem3A_233] : memref<8x!tpu.dma_semaphore, #tpu.memory_space<semaphore_mem>> -> memref<1x!tpu.dma_semaphore, #tpu.memory_space<semaphore_mem>>
      %dma_start3A_234 = tpu.memref_squeeze %dma_start3A : memref<1x!tpu.dma_semaphore, #tpu.memory_space<semaphore_mem>> -> memref<!tpu.dma_semaphore, #tpu.memory_space<semaphore_mem>>
      %dma_start3A_235 = arith.constant 0 : i32
      %dma_start3A_236 = arith.constant 0 : i32
      %dma_start3A_237 = tpu.memref_slice %arg8[%rem3A_231, %dma_start3A_235, %dma_start3A_236] : memref<8x512x512xf32, #tpu.memory_space<vmem>> -> memref<1x512x512xf32, #tpu.memory_space<vmem>>
      %dma_start3A_238 = tpu.memref_squeeze %dma_start3A_237 : memref<1x512x512xf32, #tpu.memory_space<vmem>> -> memref<512x512xf32, #tpu.memory_space<vmem>>
      %dma_start3A_239 = arith.constant 0 : i32
      %dma_start3A_240 = arith.constant 0 : i32
      %dma_start3A_241 = tpu.memref_slice %arg3[%arg0, %dma_start3A_239, %dma_start3A_240] : memref<133x512x512xf32, #tpu.memory_space<any>> -> memref<1x512x512xf32, #tpu.memory_space<any>>
      %dma_start3A_242 = tpu.memref_squeeze %dma_start3A_241 : memref<1x512x512xf32, #tpu.memory_space<any>> -> memref<512x512xf32, #tpu.memory_space<any>>
      tpu.enqueue_dma source(%dma_start3A_242 : memref<512x512xf32, #tpu.memory_space<any>>) target(%dma_start3A_238 : memref<512x512xf32, #tpu.memory_space<vmem>>) target_semaphore(%dma_start3A_234 : memref<!tpu.dma_semaphore, #tpu.memory_space<semaphore_mem>>)
    } else {
    }
    %ge3A_17 = arith.constant 2 : i32
    %ge3A_18 = arith.cmpi sge, %arg0, %ge3A_17 : i32
    %lt3A_19 = arith.constant 55 : i32
    %lt3A_20 = arith.cmpi slt, %arg0, %lt3A_19 : i32
    %and3A_21 = arith.andi %ge3A_18, %lt3A_20 : i1
    %convert_element_type3A_22 = arith.extui %and3A_21 : i1 to i32
    %cond3A_23 = arith.constant 0 : i32
    %cond3A_24 = arith.cmpi ne, %convert_element_type3A_22, %cond3A_23 : i32
    scf.if %cond3A_24 {
      %sub3A_231 = arith.constant 2 : i32
      %sub3A_232 = arith.subi %arg0, %sub3A_231 : i32
      %rem3A = arith.constant 8 : i32
      %rem3A_233 = arith.remsi %sub3A_232, %rem3A : i32
      %rem3A_234 = arith.constant 8 : i32
      %rem3A_235 = arith.remsi %sub3A_232, %rem3A_234 : i32
      %dma_wait3A_236 = tpu.memref_slice %arg10[%rem3A_235] : memref<8x!tpu.dma_semaphore, #tpu.memory_space<semaphore_mem>> -> memref<1x!tpu.dma_semaphore, #tpu.memory_space<semaphore_mem>>
      %dma_wait3A_237 = tpu.memref_squeeze %dma_wait3A_236 : memref<1x!tpu.dma_semaphore, #tpu.memory_space<semaphore_mem>> -> memref<!tpu.dma_semaphore, #tpu.memory_space<semaphore_mem>>
      %dma_wait3A_238 = arith.constant 0 : i32
      %dma_wait3A_239 = arith.constant 0 : i32
      %dma_wait3A_240 = tpu.memref_slice %arg8[%rem3A_233, %dma_wait3A_238, %dma_wait3A_239] : memref<8x512x512xf32, #tpu.memory_space<vmem>> -> memref<1x512x512xf32, #tpu.memory_space<vmem>>
      %dma_wait3A_241 = tpu.memref_squeeze %dma_wait3A_240 : memref<1x512x512xf32, #tpu.memory_space<vmem>> -> memref<512x512xf32, #tpu.memory_space<vmem>>
      %dma_wait3A_242 = arith.constant 0 : i32
      %dma_wait3A_243 = arith.constant 0 : i32
      %dma_wait3A_244 = tpu.memref_slice %arg3[%sub3A_232, %dma_wait3A_242, %dma_wait3A_243] : memref<133x512x512xf32, #tpu.memory_space<any>> -> memref<1x512x512xf32, #tpu.memory_space<any>>
      %dma_wait3A_245 = tpu.memref_squeeze %dma_wait3A_244 : memref<1x512x512xf32, #tpu.memory_space<any>> -> memref<512x512xf32, #tpu.memory_space<any>>
      tpu.wait_dma2 semaphore(%dma_wait3A_237 : memref<!tpu.dma_semaphore, #tpu.memory_space<semaphore_mem>>) src(%dma_wait3A_245 : memref<512x512xf32, #tpu.memory_space<any>>) dst(%dma_wait3A_241 : memref<512x512xf32, #tpu.memory_space<vmem>>)
      %sub3A_246 = arith.constant 2 : i32
      %sub3A_247 = arith.subi %arg0, %sub3A_246 : i32
      %rem3A_248 = arith.constant 8 : i32
      %rem3A_249 = arith.remsi %sub3A_247, %rem3A_248 : i32
      %rem3A_250 = arith.constant 8 : i32
      %rem3A_251 = arith.remsi %sub3A_247, %rem3A_250 : i32
      %dma_start3A = tpu.memref_slice %arg11[%rem3A_251] : memref<8x!tpu.dma_semaphore, #tpu.memory_space<semaphore_mem>> -> memref<1x!tpu.dma_semaphore, #tpu.memory_space<semaphore_mem>>
      %dma_start3A_252 = tpu.memref_squeeze %dma_start3A : memref<1x!tpu.dma_semaphore, #tpu.memory_space<semaphore_mem>> -> memref<!tpu.dma_semaphore, #tpu.memory_space<semaphore_mem>>
      %dma_start3A_253 = arith.constant 0 : i32
      %dma_start3A_254 = arith.constant 0 : i32
      %dma_start3A_255 = tpu.memref_slice %arg5[%sub3A_247, %dma_start3A_253, %dma_start3A_254] : memref<117x512x512xf32, #tpu.memory_space<any>> -> memref<1x512x512xf32, #tpu.memory_space<any>>
      %dma_start3A_256 = tpu.memref_squeeze %dma_start3A_255 : memref<1x512x512xf32, #tpu.memory_space<any>> -> memref<512x512xf32, #tpu.memory_space<any>>
      %dma_start3A_257 = arith.constant 0 : i32
      %dma_start3A_258 = arith.constant 0 : i32
      %dma_start3A_259 = tpu.memref_slice %arg8[%rem3A_249, %dma_start3A_257, %dma_start3A_258] : memref<8x512x512xf32, #tpu.memory_space<vmem>> -> memref<1x512x512xf32, #tpu.memory_space<vmem>>
      %dma_start3A_260 = tpu.memref_squeeze %dma_start3A_259 : memref<1x512x512xf32, #tpu.memory_space<vmem>> -> memref<512x512xf32, #tpu.memory_space<vmem>>
      tpu.enqueue_dma source(%dma_start3A_260 : memref<512x512xf32, #tpu.memory_space<vmem>>) target(%dma_start3A_256 : memref<512x512xf32, #tpu.memory_space<any>>) target_semaphore(%dma_start3A_252 : memref<!tpu.dma_semaphore, #tpu.memory_space<semaphore_mem>>)
    } else {
    }
    %eq3A_25 = arith.constant 0 : i32
    %eq3A_26 = arith.cmpi eq, %arg0, %eq3A_25 : i32
    %convert_element_type3A_27 = arith.extui %eq3A_26 : i1 to i32
    %cond3A_28 = arith.constant 0 : i32
    %cond3A_29 = arith.cmpi ne, %convert_element_type3A_27, %cond3A_28 : i32
    scf.if %cond3A_29 {
      tpu.wait_dma2 semaphore(%arg13 : memref<!tpu.dma_semaphore, #tpu.memory_space<semaphore_mem>>) src(%arg4 : memref<64x100x100xf32, #tpu.memory_space<any>>) dst(%arg9 : memref<64x100x100xf32, #tpu.memory_space<vmem>>)
    } else {
    }
    %get3A = arith.constant 0 : index
    %get3A_30 = arith.index_cast %arg0 : i32 to index
    %get3A_31 = memref.load %arg2[%get3A, %get3A_30] : memref<9x64xi32, #tpu.memory_space<smem>>
    %get3A_32 = arith.constant 1 : index
    %get3A_33 = arith.index_cast %arg0 : i32 to index
    %get3A_34 = memref.load %arg2[%get3A_32, %get3A_33] : memref<9x64xi32, #tpu.memory_space<smem>>
    %get3A_35 = arith.constant 2 : index
    %get3A_36 = arith.index_cast %arg0 : i32 to index
    %get3A_37 = memref.load %arg2[%get3A_35, %get3A_36] : memref<9x64xi32, #tpu.memory_space<smem>>
    %get3A_38 = arith.constant 3 : index
    %get3A_39 = arith.index_cast %arg0 : i32 to index
    %get3A_40 = memref.load %arg2[%get3A_38, %get3A_39] : memref<9x64xi32, #tpu.memory_space<smem>>
    %get3A_41 = arith.constant 4 : index
    %get3A_42 = arith.index_cast %arg0 : i32 to index
    %get3A_43 = memref.load %arg2[%get3A_41, %get3A_42] : memref<9x64xi32, #tpu.memory_space<smem>>
    %get3A_44 = arith.constant 5 : index
    %get3A_45 = arith.index_cast %arg0 : i32 to index
    %get3A_46 = memref.load %arg2[%get3A_44, %get3A_45] : memref<9x64xi32, #tpu.memory_space<smem>>
    %get3A_47 = arith.constant 6 : index
    %get3A_48 = arith.index_cast %arg0 : i32 to index
    %get3A_49 = memref.load %arg2[%get3A_47, %get3A_48] : memref<9x64xi32, #tpu.memory_space<smem>>
    %multiple_of3A = tpu.assume_multiple %get3A_49, 128 : i32
    %get3A_50 = arith.constant 7 : index
    %get3A_51 = arith.index_cast %arg0 : i32 to index
    %get3A_52 = memref.load %arg2[%get3A_50, %get3A_51] : memref<9x64xi32, #tpu.memory_space<smem>>
    %multiple_of3A_53 = tpu.assume_multiple %get3A_52, 128 : i32
    %sub3A = arith.subi %get3A_37, %get3A_31 : i32
    %add3A = arith.constant 1 : i32
    %add3A_54 = arith.addi %sub3A, %add3A : i32
    %convert_element_type3A_55 = arith.sitofp %add3A_54 : i32 to f32
    %sub3A_56 = arith.subi %get3A_40, %get3A_34 : i32
    %add3A_57 = arith.constant 1 : i32
    %add3A_58 = arith.addi %sub3A_56, %add3A_57 : i32
    %convert_element_type3A_59 = arith.sitofp %add3A_58 : i32 to f32
    %iota3A = tpu.iota {dimensions = array<i32: 0>} : vector<256x1xi32>
    %add3A_60 = vector.broadcast %multiple_of3A : i32 to vector<256x1xi32>
    %add3A_61 = arith.addi %add3A_60, %iota3A : vector<256x1xi32>
    %convert_element_type3A_62 = arith.sitofp %add3A_61 : vector<256x1xi32> to vector<256x1xf32>
    %convert_element_type3A_63 = arith.sitofp %get3A_31 : i32 to f32
    %sub3A_64 = vector.broadcast %convert_element_type3A_63 : f32 to vector<256x1xf32>
    %sub3A_65 = arith.subf %convert_element_type3A_62, %sub3A_64 : vector<256x1xf32>
    %add3A_66 = arith.constant 5.000000e-01 : f32
    %add3A_67 = vector.broadcast %add3A_66 : f32 to vector<256x1xf32>
    %add3A_68 = arith.addf %sub3A_65, %add3A_67 : vector<256x1xf32>
    %div3A = arith.constant 1.000000e+02 : f32
    %div3A_69 = arith.divf %div3A, %convert_element_type3A_55 : f32
    %mul3A = vector.broadcast %div3A_69 : f32 to vector<256x1xf32>
    %mul3A_70 = arith.mulf %add3A_68, %mul3A : vector<256x1xf32>
    %sub3A_71 = arith.constant 5.000000e-01 : f32
    %sub3A_72 = vector.broadcast %sub3A_71 : f32 to vector<256x1xf32>
    %sub3A_73 = arith.subf %mul3A_70, %sub3A_72 : vector<256x1xf32>
    %jit3A = arith.constant 0.000000e+00 : f32
    %jit3A_74 = arith.constant 9.900000e+01 : f32
    %max3A = vector.broadcast %jit3A : f32 to vector<256x1xf32>
    %max3A_75 = arith.maximumf %max3A, %sub3A_73 : vector<256x1xf32>
    %min3A = vector.broadcast %jit3A_74 : f32 to vector<256x1xf32>
    %min3A_76 = arith.minimumf %min3A, %max3A_75 : vector<256x1xf32>
    %floor3A = math.floor %min3A_76 : vector<256x1xf32>
    %sub3A_77 = arith.subf %min3A_76, %floor3A : vector<256x1xf32>
    %ge3A_78 = vector.broadcast %get3A_31 : i32 to vector<256x1xi32>
    %ge3A_79 = arith.cmpi sge, %add3A_61, %ge3A_78 : vector<256x1xi32>
    %le3A = vector.broadcast %get3A_37 : i32 to vector<256x1xi32>
    %le3A_80 = arith.cmpi sle, %add3A_61, %le3A : vector<256x1xi32>
    %and3A_81 = arith.andi %ge3A_79, %le3A_80 : vector<256x1xi1>
    %convert_element_type3A_82 = arith.fptosi %floor3A : vector<256x1xf32> to vector<256x1xi32>
    %add3A_83 = arith.constant 1 : i32
    %add3A_84 = vector.broadcast %add3A_83 : i32 to vector<256x1xi32>
    %add3A_85 = arith.addi %convert_element_type3A_82, %add3A_84 : vector<256x1xi32>
    %min3A_86 = arith.constant 99 : i32
    %min3A_87 = vector.broadcast %min3A_86 : i32 to vector<256x1xi32>
    %min3A_88 = arith.minsi %add3A_85, %min3A_87 : vector<256x1xi32>
    %iota3A_89 = tpu.iota {dimensions = array<i32: 1>} : vector<256x100xi32>
    %eq3A_90 = vector.broadcast %convert_element_type3A_82 : vector<256x1xi32> to vector<256x100xi32>
    %eq3A_91 = arith.cmpi eq, %iota3A_89, %eq3A_90 : vector<256x100xi32>
    %sub3A_92 = arith.constant 1.000000e+00 : f32
    %sub3A_93 = vector.broadcast %sub3A_92 : f32 to vector<256x1xf32>
    %sub3A_94 = arith.subf %sub3A_93, %sub3A_77 : vector<256x1xf32>
    %jit3A_95 = arith.constant 0.000000e+00 : f32
    %broadcast_in_dim3A = vector.shape_cast %sub3A_94 : vector<256x1xf32> to vector<256x1xf32>
    %broadcast_in_dim3A_96 = vector.broadcast %broadcast_in_dim3A : vector<256x1xf32> to vector<256x100xf32>
    %broadcast_in_dim3A_97 = vector.broadcast %jit3A_95 : f32 to vector<256x100xf32>
    %select_n3A = arith.select %eq3A_91, %broadcast_in_dim3A_96, %broadcast_in_dim3A_97 : vector<256x100xi1>, vector<256x100xf32>
    %eq3A_98 = vector.broadcast %min3A_88 : vector<256x1xi32> to vector<256x100xi32>
    %eq3A_99 = arith.cmpi eq, %iota3A_89, %eq3A_98 : vector<256x100xi32>
    %jit3A_100 = arith.constant 0.000000e+00 : f32
    %broadcast_in_dim3A_101 = vector.shape_cast %sub3A_77 : vector<256x1xf32> to vector<256x1xf32>
    %broadcast_in_dim3A_102 = vector.broadcast %broadcast_in_dim3A_101 : vector<256x1xf32> to vector<256x100xf32>
    %broadcast_in_dim3A_103 = vector.broadcast %jit3A_100 : f32 to vector<256x100xf32>
    %select_n3A_104 = arith.select %eq3A_99, %broadcast_in_dim3A_102, %broadcast_in_dim3A_103 : vector<256x100xi1>, vector<256x100xf32>
    %add3A_105 = arith.addf %select_n3A, %select_n3A_104 : vector<256x100xf32>
    %jit3A_106 = arith.constant 0.000000e+00 : f32
    %broadcast_in_dim3A_107 = vector.shape_cast %and3A_81 : vector<256x1xi1> to vector<256x1xi1>
    %broadcast_in_dim3A_108 = vector.broadcast %broadcast_in_dim3A_107 : vector<256x1xi1> to vector<256x100xi1>
    %broadcast_in_dim3A_109 = vector.broadcast %jit3A_106 : f32 to vector<256x100xf32>
    %select_n3A_110 = arith.select %broadcast_in_dim3A_108, %add3A_105, %broadcast_in_dim3A_109 : vector<256x100xi1>, vector<256x100xf32>
    %iota3A_111 = tpu.iota {dimensions = array<i32: 0>} : vector<256x1xi32>
    %add3A_112 = vector.broadcast %multiple_of3A_53 : i32 to vector<256x1xi32>
    %add3A_113 = arith.addi %add3A_112, %iota3A_111 : vector<256x1xi32>
    %convert_element_type3A_114 = arith.sitofp %add3A_113 : vector<256x1xi32> to vector<256x1xf32>
    %convert_element_type3A_115 = arith.sitofp %get3A_34 : i32 to f32
    %sub3A_116 = vector.broadcast %convert_element_type3A_115 : f32 to vector<256x1xf32>
    %sub3A_117 = arith.subf %convert_element_type3A_114, %sub3A_116 : vector<256x1xf32>
    %add3A_118 = arith.constant 5.000000e-01 : f32
    %add3A_119 = vector.broadcast %add3A_118 : f32 to vector<256x1xf32>
    %add3A_120 = arith.addf %sub3A_117, %add3A_119 : vector<256x1xf32>
    %div3A_121 = arith.constant 1.000000e+02 : f32
    %div3A_122 = arith.divf %div3A_121, %convert_element_type3A_59 : f32
    %mul3A_123 = vector.broadcast %div3A_122 : f32 to vector<256x1xf32>
    %mul3A_124 = arith.mulf %add3A_120, %mul3A_123 : vector<256x1xf32>
    %sub3A_125 = arith.constant 5.000000e-01 : f32
    %sub3A_126 = vector.broadcast %sub3A_125 : f32 to vector<256x1xf32>
    %sub3A_127 = arith.subf %mul3A_124, %sub3A_126 : vector<256x1xf32>
    %jit3A_128 = arith.constant 0.000000e+00 : f32
    %jit3A_129 = arith.constant 9.900000e+01 : f32
    %max3A_130 = vector.broadcast %jit3A_128 : f32 to vector<256x1xf32>
    %max3A_131 = arith.maximumf %max3A_130, %sub3A_127 : vector<256x1xf32>
    %min3A_132 = vector.broadcast %jit3A_129 : f32 to vector<256x1xf32>
    %min3A_133 = arith.minimumf %min3A_132, %max3A_131 : vector<256x1xf32>
    %floor3A_134 = math.floor %min3A_133 : vector<256x1xf32>
    %sub3A_135 = arith.subf %min3A_133, %floor3A_134 : vector<256x1xf32>
    %ge3A_136 = vector.broadcast %get3A_34 : i32 to vector<256x1xi32>
    %ge3A_137 = arith.cmpi sge, %add3A_113, %ge3A_136 : vector<256x1xi32>
    %le3A_138 = vector.broadcast %get3A_40 : i32 to vector<256x1xi32>
    %le3A_139 = arith.cmpi sle, %add3A_113, %le3A_138 : vector<256x1xi32>
    %and3A_140 = arith.andi %ge3A_137, %le3A_139 : vector<256x1xi1>
    %convert_element_type3A_141 = arith.fptosi %floor3A_134 : vector<256x1xf32> to vector<256x1xi32>
    %add3A_142 = arith.constant 1 : i32
    %add3A_143 = vector.broadcast %add3A_142 : i32 to vector<256x1xi32>
    %add3A_144 = arith.addi %convert_element_type3A_141, %add3A_143 : vector<256x1xi32>
    %min3A_145 = arith.constant 99 : i32
    %min3A_146 = vector.broadcast %min3A_145 : i32 to vector<256x1xi32>
    %min3A_147 = arith.minsi %add3A_144, %min3A_146 : vector<256x1xi32>
    %iota3A_148 = tpu.iota {dimensions = array<i32: 1>} : vector<256x100xi32>
    %eq3A_149 = vector.broadcast %convert_element_type3A_141 : vector<256x1xi32> to vector<256x100xi32>
    %eq3A_150 = arith.cmpi eq, %iota3A_148, %eq3A_149 : vector<256x100xi32>
    %sub3A_151 = arith.constant 1.000000e+00 : f32
    %sub3A_152 = vector.broadcast %sub3A_151 : f32 to vector<256x1xf32>
    %sub3A_153 = arith.subf %sub3A_152, %sub3A_135 : vector<256x1xf32>
    %jit3A_154 = arith.constant 0.000000e+00 : f32
    %broadcast_in_dim3A_155 = vector.shape_cast %sub3A_153 : vector<256x1xf32> to vector<256x1xf32>
    %broadcast_in_dim3A_156 = vector.broadcast %broadcast_in_dim3A_155 : vector<256x1xf32> to vector<256x100xf32>
    %broadcast_in_dim3A_157 = vector.broadcast %jit3A_154 : f32 to vector<256x100xf32>
    %select_n3A_158 = arith.select %eq3A_150, %broadcast_in_dim3A_156, %broadcast_in_dim3A_157 : vector<256x100xi1>, vector<256x100xf32>
    %eq3A_159 = vector.broadcast %min3A_147 : vector<256x1xi32> to vector<256x100xi32>
    %eq3A_160 = arith.cmpi eq, %iota3A_148, %eq3A_159 : vector<256x100xi32>
    %jit3A_161 = arith.constant 0.000000e+00 : f32
    %broadcast_in_dim3A_162 = vector.shape_cast %sub3A_135 : vector<256x1xf32> to vector<256x1xf32>
    %broadcast_in_dim3A_163 = vector.broadcast %broadcast_in_dim3A_162 : vector<256x1xf32> to vector<256x100xf32>
    %broadcast_in_dim3A_164 = vector.broadcast %jit3A_161 : f32 to vector<256x100xf32>
    %select_n3A_165 = arith.select %eq3A_160, %broadcast_in_dim3A_163, %broadcast_in_dim3A_164 : vector<256x100xi1>, vector<256x100xf32>
    %add3A_166 = arith.addf %select_n3A_158, %select_n3A_165 : vector<256x100xf32>
    %jit3A_167 = arith.constant 0.000000e+00 : f32
    %broadcast_in_dim3A_168 = vector.shape_cast %and3A_140 : vector<256x1xi1> to vector<256x1xi1>
    %broadcast_in_dim3A_169 = vector.broadcast %broadcast_in_dim3A_168 : vector<256x1xi1> to vector<256x100xi1>
    %broadcast_in_dim3A_170 = vector.broadcast %jit3A_167 : f32 to vector<256x100xf32>
    %select_n3A_171 = arith.select %broadcast_in_dim3A_169, %add3A_166, %broadcast_in_dim3A_170 : vector<256x100xi1>, vector<256x100xf32>
    %get3A_172 = arith.index_cast %arg0 : i32 to index
    %get3A_173 = arith.constant 0 : index
    %get3A_174 = arith.constant 0 : index
    %get3A_175 = vector.load %arg9[%get3A_172, %get3A_173, %get3A_174] : memref<64x100x100xf32, #tpu.memory_space<vmem>>, vector<1x100x100xf32>
    %get3A_176 = vector.shape_cast %get3A_175 : vector<1x100x100xf32> to vector<100x100xf32>
    %dot_general3A = arith.constant dense<0.000000e+00> : vector<256x100xf32>
    %dot_general3A_177 = tpu.matmul %select_n3A_110, %get3A_176, %dot_general3A {dimension_numbers = #tpu.dot_dimension_numbers<[1], [0], [0], [1], [0, 0, 1, 1], [], []>, precision = #tpu.contract_precision<fp32>, transpose_lhs_hint = false} : vector<256x100xf32>, vector<100x100xf32>, vector<256x100xf32> -> vector<256x100xf32>
    %dot_general3A_178 = arith.constant dense<0.000000e+00> : vector<256x256xf32>
    %dot_general3A_179 = tpu.matmul %dot_general3A_177, %select_n3A_171, %dot_general3A_178 {dimension_numbers = #tpu.dot_dimension_numbers<[1], [1], [0], [0], [0, 0, 1, 0], [], []>, precision = #tpu.contract_precision<fp32>, transpose_lhs_hint = false} : vector<256x100xf32>, vector<256x100xf32>, vector<256x256xf32> -> vector<256x256xf32>
    %iota3A_180 = tpu.iota {dimensions = array<i32: 0>} : vector<256x1xi32>
    %add3A_181 = vector.broadcast %multiple_of3A : i32 to vector<256x1xi32>
    %add3A_182 = arith.addi %add3A_181, %iota3A_180 : vector<256x1xi32>
    %iota3A_183 = tpu.iota {dimensions = array<i32: 1>} : vector<1x256xi32>
    %add3A_184 = vector.broadcast %multiple_of3A_53 : i32 to vector<1x256xi32>
    %add3A_185 = arith.addi %add3A_184, %iota3A_183 : vector<1x256xi32>
    %ge3A_186 = vector.broadcast %get3A_31 : i32 to vector<256x1xi32>
    %ge3A_187 = arith.cmpi sge, %add3A_182, %ge3A_186 : vector<256x1xi32>
    %lt3A_188 = vector.broadcast %get3A_43 : i32 to vector<256x1xi32>
    %lt3A_189 = arith.cmpi slt, %add3A_182, %lt3A_188 : vector<256x1xi32>
    %and3A_190 = arith.andi %ge3A_187, %lt3A_189 : vector<256x1xi1>
    %convert_element_type3A_191 = arith.extui %and3A_190 : vector<256x1xi1> to vector<256x1xi32>
    %convert_element_type3A_192 = arith.sitofp %convert_element_type3A_191 : vector<256x1xi32> to vector<256x1xf32>
    %ge3A_193 = vector.broadcast %get3A_34 : i32 to vector<1x256xi32>
    %ge3A_194 = arith.cmpi sge, %add3A_185, %ge3A_193 : vector<1x256xi32>
    %lt3A_195 = vector.broadcast %get3A_46 : i32 to vector<1x256xi32>
    %lt3A_196 = arith.cmpi slt, %add3A_185, %lt3A_195 : vector<1x256xi32>
    %and3A_197 = arith.andi %ge3A_194, %lt3A_196 : vector<1x256xi1>
    %convert_element_type3A_198 = arith.extui %and3A_197 : vector<1x256xi1> to vector<1x256xi32>
    %convert_element_type3A_199 = arith.sitofp %convert_element_type3A_198 : vector<1x256xi32> to vector<1x256xf32>
    %get3A_200 = arith.constant 6 : index
    %get3A_201 = arith.index_cast %arg0 : i32 to index
    %get3A_202 = memref.load %arg2[%get3A_200, %get3A_201] : memref<9x64xi32, #tpu.memory_space<smem>>
    %multiple_of3A_203 = tpu.assume_multiple %get3A_202, 128 : i32
    %get3A_204 = arith.constant 7 : index
    %get3A_205 = arith.index_cast %arg0 : i32 to index
    %get3A_206 = memref.load %arg2[%get3A_204, %get3A_205] : memref<9x64xi32, #tpu.memory_space<smem>>
    %multiple_of3A_207 = tpu.assume_multiple %get3A_206, 128 : i32
    %get3A_208 = arith.index_cast %arg0 : i32 to index
    %get3A_209 = memref.load %arg1[%get3A_208] : memref<64xi32, #tpu.memory_space<smem>>
    %dma_wait3A = tpu.memref_slice %arg12[%arg0] : memref<64x!tpu.dma_semaphore, #tpu.memory_space<semaphore_mem>> -> memref<1x!tpu.dma_semaphore, #tpu.memory_space<semaphore_mem>>
    %dma_wait3A_210 = tpu.memref_squeeze %dma_wait3A : memref<1x!tpu.dma_semaphore, #tpu.memory_space<semaphore_mem>> -> memref<!tpu.dma_semaphore, #tpu.memory_space<semaphore_mem>>
    %dma_wait3A_211 = arith.constant 0 : i32
    %dma_wait3A_212 = arith.constant 0 : i32
    %dma_wait3A_213 = tpu.memref_slice %arg7[%arg0, %dma_wait3A_211, %dma_wait3A_212] : memref<64x256x256xf32, #tpu.memory_space<vmem>> -> memref<1x256x256xf32, #tpu.memory_space<vmem>>
    %dma_wait3A_214 = tpu.memref_squeeze %dma_wait3A_213 : memref<1x256x256xf32, #tpu.memory_space<vmem>> -> memref<256x256xf32, #tpu.memory_space<vmem>>
    %dma_wait3A_215 = tpu.memref_slice %arg3[%get3A_209, %multiple_of3A_203, %multiple_of3A_207] : memref<133x512x512xf32, #tpu.memory_space<any>> -> memref<1x256x256xf32, #tpu.memory_space<any>>
    %dma_wait3A_216 = tpu.memref_squeeze %dma_wait3A_215 : memref<1x256x256xf32, #tpu.memory_space<any>> -> memref<256x256xf32, #tpu.memory_space<any>>
    tpu.wait_dma2 semaphore(%dma_wait3A_210 : memref<!tpu.dma_semaphore, #tpu.memory_space<semaphore_mem>>) src(%dma_wait3A_216 : memref<256x256xf32, #tpu.memory_space<any>>) dst(%dma_wait3A_214 : memref<256x256xf32, #tpu.memory_space<vmem>>)
    %get3A_217 = arith.index_cast %arg0 : i32 to index
    %get3A_218 = arith.constant 0 : index
    %get3A_219 = arith.constant 0 : index
    %get3A_220 = vector.load %arg7[%get3A_217, %get3A_218, %get3A_219] : memref<64x256x256xf32, #tpu.memory_space<vmem>>, vector<1x256x256xf32>
    %get3A_221 = vector.shape_cast %get3A_220 : vector<1x256x256xf32> to vector<256x256xf32>
    %mul3A_222 = vector.broadcast %convert_element_type3A_192 : vector<256x1xf32> to vector<256x256xf32>
    %mul3A_223 = vector.broadcast %convert_element_type3A_199 : vector<1x256xf32> to vector<256x256xf32>
    %mul3A_224 = arith.mulf %mul3A_222, %mul3A_223 : vector<256x256xf32>
    %mul3A_225 = arith.mulf %get3A_221, %mul3A_224 : vector<256x256xf32>
    %add3A_226 = arith.addf %dot_general3A_179, %mul3A_225 : vector<256x256xf32>
    %broadcast_in_dim3A_227 = vector.shape_cast %add3A_226 : vector<256x256xf32> to vector<1x256x256xf32>
    %swap3A = arith.constant 0 : index
    %swap3A_228 = arith.constant 0 : index
    %swap3A_229 = arith.constant 0 : index
    %swap3A_230 = vector.load %arg6[%swap3A, %swap3A_228, %swap3A_229] : memref<1x256x256xf32, #tpu.memory_space<vmem>>, vector<1x256x256xf32>
    tpu.vector_store %arg6[%swap3A, %swap3A_228, %swap3A_229], %broadcast_in_dim3A_227 {strides = array<i32>} : memref<1x256x256xf32, #tpu.memory_space<vmem>>, vector<1x256x256xf32>,
    return
  }
  func.func @transform_3(%arg0: i32, %arg1: memref<64xi32, #tpu.memory_space<smem>>, %arg2: memref<9x64xi32, #tpu.memory_space<smem>>) -> (i32, i32, i32) {
    %c0_i32 = arith.constant 0 : i32
    %c0_i32_0 = arith.constant 0 : i32
    %c0_i32_1 = arith.constant 0 : i32
    return %arg0, %c0_i32, %c0_i32_0 : i32, i32, i32
  }
}

</mosaic_0001>

<sc_bundles>
// kernel: kernel.4.cloned.1.call-start
scs
__scs_entry_jumppad:
0x0: {  	(pc) =	sbr.rel $0x88, $3  }
0x1: {  	(tag) =	ssettag $0x0;
	lr =	simm.s32 $0x1  }
0x2: {  	[smem:$0x3F9D] =	sst lr;
	_ =	strace $0xD0000000  }
0x3: {  	_ = 	snop  }
0x4: {  	_ = 	snop  }
0x5: {  	_ = 	snop  }
0x6: {  	_ = 	snop  }
0x7: {  	_ = 	snop  }
__scs_overlays_trampoline_lowered:
0x8: {  	[smem:$0x3FAC] =	sst s0  }
0x9: {  	[smem:$0x3FAD] =	sst s1  }
0xa: {  	[smem:$0x3FAE] =	sst s2  }
0xb: {  	[smem:$0x3FAF] =	sst s3  }
0xc: {  	[smem:$0x3FB0] =	sst s4  }
0xd: {  	[smem:$0x3FB1] =	sst s5  }
0xe: {  	[smem:$0x3FB2] =	sst s6  }
0xf: {  	[smem:$0x3FB3] =	sst s7  }
0x10: {  	[smem:$0x3FB4] =	sst s8  }
0x11: {  	[smem:$0x3FB5] =	sst s9;
	s0 =	simm.s32 @!p0 $0x0  }
0x12: {  	s1 =	sld [smem:$0x3F9B];
	s0 =	simm.s32 @p0 $0x1  }
0x13: {  	[smem:$0x3FB6] =	sst s0;
	s0 =	simm.s32 @!p1 $0x0  }
0x14: {  	s2 =	sld [smem:$0x3F9A];
	s0 =	simm.s32 @p1 $0x1  }
0x15: {  	[smem:$0x3FB7] =	sst s0;
	s0 =	simm.s32 @!p2 $0x0  }
0x16: {  	s3 =	sld [smem:$0x3FDB];
	s0 =	simm.s32 @p2 $0x1  }
0x17: {  	s4 =	simm.s32 $0x1BF5;
	[smem:$0x3FB9] =	sst s0  }
0x18: {  	s0 =	sld [smem:$0x3F9C];
	_ =	swait.ge [sflag:s4], $0x0  }
0x19: {  	s7 =	sld [smem:$0x3F9D]  }
0x1a: {  	s8 =	sadd.s32 $0xFFFFE003, lr  }
0x1b: {  	s9 =	sadd.s32 $0xFFFFFEF7, lr;
	s5 =	simm.s32 $0xFFFFFFFF;
	p2 =	slt.u32 s8, $0xFFFFF086  }
0x1c: {  	p1 =	slt.u32 s9, $0xF7A;
	s5 =	simm.s32 @!p2 $0x0  }
0x1d: {  	s5 =	simm.s32 @p1 $0x1;
	p0 =	seq.s32 s7, s2  }
0x1e: {  	s7 =	smul.u32 @!p0 $0xF7A, s2;
	p2 =	seq.s32 @!p0 s5, $0x0  }
0x1f: {  	s9 =	smul.u32 $0xF7A, s1;
	s8 =	simm.s32 @!p0 $0x1BF5;
	p2 =	por !p2, p0  }
0x20: {  	[sflag:s8] =	ssyncset.s32 @!p0 $0xFFFFF086;
	s6 =	sadd.s32 @!p0 s3, s7;
	s7 =	simm.s32 @!p0 $0x108  }
0x21: {  	s3 =	sadd.s32 s3, s9;
	s6 =	sadd.s32 @!p0 $0x88, s6;
	s7 =	simm.s32 @p2 $0x1082  }
0x22: {  	[simem:s7], [sflag:s8] =	dma.local @!p0 [hbm:s6], $0xF7A  }
0x23: {  	s9 =	sor.u32 $0xD0000000, s2;
	s6 =	simm.s32 $0x108;
	_ =	swait.ge @!p0 [sflag:s8], $0x0  }
0x24: {  	s3 =	sadd.s32 $0x88, s3;
	s6 =	simm.s32 @!p1 $0x1082;
	[sflag:s4] =	ssyncset.s32 $0xFFFFF086  }
0x25: {  	[simem:s6], [sflag:s4] =	dma.local [hbm:s3], $0xF7A  }
0x26: {  	[smem:$0x3F9D] =	sst s1;
	(tag) =	ssettag s2;
	_ =	strace s9  }
0x27: {  	s1 =	sld [smem:$0x3FAD]  }
0x28: {  	s2 =	sld [smem:$0x3FAE]  }
0x29: {  	s4 =	sld [smem:$0x3FB0]  }
0x2a: {  	p0 =	seq.s32 s5, $0x0;
	s5 =	sld [smem:$0x3FB1]  }
0x2b: {  	s6 =	sld [smem:$0x3FB2]  }
0x2c: {  	s7 =	sld [smem:$0x3FB3]  }
0x2d: {  	s3 =	simm.s32 $0x108;
	s8 =	sld [smem:$0x3FB4]  }
0x2e: {  	s3 =	simm.s32 @!p0 $0x1082;
	s9 =	sld [smem:$0x3FB5]  }
0x2f: {  	lr =	sadd.s32 s0, s3;
	s0 =	sld [smem:$0x3FAC]  }
0x30: {  	s3 =	sld [smem:$0x3FAF]  }
0x31: {  	[smem:$0x3FB8] =	sst s10  }
0x32: {  	s10 =	sld [smem:$0x3FB6];
	_ =	sdelay $0x3  }
0x33: {  	p0 =	seq.s32 s10, $0x1;
	s10 =	sld [smem:$0x3FB8];
	_ =	sdelay $0x3  }
0x34: {  	[smem:$0x3FB8] =	sst s10  }
0x35: {  	s10 =	sld [smem:$0x3FB7];
	_ =	sdelay $0x3  }
0x36: {  	p1 =	seq.s32 s10, $0x1;
	s10 =	sld [smem:$0x3FB8];
	_ =	sdelay $0x3  }
0x37: {  	[smem:$0x3FB8] =	sst s10  }
0x38: {  	s10 =	sld [smem:$0x3FB9]  }
0x39: {  	_ = 	snop;
	(pc) =	sbr.ind lr, $3  }
0x3a: {  	_ = 	snop  }
0x3b: {  	_ = 	snop  }
0x3c: {  	p2 =	seq.s32 s10, $0x1;
	s10 =	sld [smem:$0x3FB8]  }
0x3d: {  	_ =	shalt  }
0x3e: {  	_ =	shalt  }
0x3f: {  	_ =	shalt  }
0x40: {  	_ =	shalt  }
0x41: {  	_ =	shalt  }
0x42: {  	_ =	shalt  }
0x43: {  	_ =	shalt  }
0x44: {  	_ =	shalt  }
0x45: {  	_ =	shalt  }
0x46: {  	_ =	shalt  }
0x47: {  	_ =	shalt  }
0x48: {  	_ =	shalt  }
0x49: {  	_ =	shalt  }
0x4a: {  	_ =	shalt  }
0x4b: {  	_ =	shalt  }
0x4c: {  	_ =	shalt  }
0x4d: {  	_ =	shalt  }
0x4e: {  	_ =	shalt  }
0x4f: {  	_ =	shalt  }
0x50: {  	_ =	shalt  }
0x51: {  	_ =	shalt  }
0x52: {  	_ =	shalt  }
0x53: {  	_ =	shalt  }
0x54: {  	_ =	shalt  }
0x55: {  	_ =	shalt  }
0x56: {  	_ =	shalt  }
0x57: {  	_ =	shalt  }
0x58: {  	_ =	shalt  }
0x59: {  	_ =	shalt  }
0x5a: {  	_ =	shalt  }
0x5b: {  	_ =	shalt  }
0x5c: {  	_ =	shalt  }
0x5d: {  	_ =	shalt  }
0x5e: {  	_ =	shalt  }
0x5f: {  	_ =	shalt  }
0x60: {  	_ =	shalt  }
0x61: {  	_ =	shalt  }
0x62: {  	_ =	shalt  }
0x63: {  	_ =	shalt  }
0x64: {  	_ =	shalt  }
0x65: {  	_ =	shalt  }
0x66: {  	_ =	shalt  }
0x67: {  	_ =	shalt  }
0x68: {  	_ =	shalt  }
0x69: {  	_ =	shalt  }
0x6a: {  	_ =	shalt  }
0x6b: {  	_ =	shalt  }
0x6c: {  	_ =	shalt  }
0x6d: {  	_ =	shalt  }
0x6e: {  	_ =	shalt  }
0x6f: {  	_ =	shalt  }
0x70: {  	_ =	shalt  }
0x71: {  	_ =	shalt  }
0x72: {  	_ =	shalt  }
0x73: {  	_ =	shalt  }
0x74: {  	_ =	shalt  }
0x75: {  	_ =	shalt  }
0x76: {  	_ =	shalt  }
0x77: {  	_ =	shalt  }
0x78: {  	_ =	shalt  }
0x79: {  	_ =	shalt  }
0x7a: {  	_ =	shalt  }
0x7b: {  	_ =	shalt  }
0x7c: {  	_ =	shalt  }
0x7d: {  	_ =	shalt  }
0x7e: {  	_ =	shalt  }
0x7f: {  	_ =	shalt  }
0x80: {  	_ =	shalt  }
0x81: {  	_ =	shalt  }
0x82: {  	_ =	shalt  }
0x83: {  	_ =	shalt  }
0x84: {  	_ =	shalt  }
0x85: {  	_ =	shalt  }
0x86: {  	_ =	shalt  }
0x87: {  	_ =	shalt  }
.Lfunc_end0:
.L_simem_size_0:
called_computation_lowered:
.L_overlay_start_0:
0x88: {  	s2 =	sld [smem:$0x3FD9]  }
0x89: {  	s3 =	sld [smem:$0x3FFE];
	_ =	sdelay $0x1  }
0x8a: {  	s1 =	srdreg.scid  }
0x8b: {  	s0 =	sand.u32 $0x1, s1  }
0x8c: {  	s17 =	sshll.u32 s0, $0xA;
	s2 =	sadd.s32 s3, s2  }
0x8d: {  	s2 =	sadd.s32 s2, s17  }
0x8e: {  	[smem:$0x3FC4] =	sst s2  }
0x8f: {  	_ = 	snop  }
0x90: {  	s2 =	sld [smem:$0x3FD0];
	(tm) =	ssettm $0x1  }
0x91: {  	s18 =	sld [smem:$0x3FFB];
	_ =	sdelay $0x3  }
0x92: {  	_ =	strace s18  }
0x93: {  	s3 =	sld [smem:$0x3FFC];
	_ =	sdelay $0x3  }
0x94: {  	_ =	strace s3  }
0x95: {  	s3 =	sld [smem:$0x3FFD];
	_ =	sdelay $0x3  }
0x96: {  	_ =	strace s3  }
0x97: {  	_ =	strace $0x8FFFFFFF  }
0x98: {  	s19 =	sld [smem:$0x3FDB];
	_ =	sdelay $0x1  }
0x99: {  	s4 =	simm.s32 $_scs_section_size  }
0x9a: {  	s5 =	simm.s32 $_size__tile_overlayer_lowered;
	s6 =	simm.s32 $_tile_overlayer_lowered  }
0x9b: {  	s22 =	simm.s32 $0x1BFF;
	s21 =	sshll.u32 s6, $0x1;
	s3 =	sadd.s32 s4, s19  }
0x9c: {  	s7 =	simm.s32 $0x0;
	s20 =	sshll.u32 s5, $0x1;
	s5 =	sadd.s32 s21, s3  }
0x9d: {  	[timem:s7], [sflag:s22] =	dma.local [hbm:s5], s20  }
0x9e: {  	_ =	swait.ge [sflag:s22], s20  }
0x9f: {  	s4 =	ssub.s32 $0x0, s20;
	[sflag:s22] =	ssyncset.done $0x0  }
0xa0: {  	[sflag:s22] =	ssyncadd.s32 s4;
	_ =	sdelay $0x1  }
0xa1: {  	s23 =	simm.s32 $0x1B8B  }
0xa2: {  	_ =	swait.ge [sflag:s23], $0x1  }
0xa3: {  	[sflag:s23] =	ssyncset.done $0x0  }
0xa4: {  	s25 =	simm.s32 $0x1B8E;
	s24 =	sld [smem:$0x3FFE];
	[sflag:s23] =	ssyncadd.s32 $0xFFFFFFFF  }
0xa5: {  	s26 =	simm.s32 $execute0_lowered;
	[smem:$0x3FD2] =	sst s25  }
0xa6: {  	s5 =	sshll.u32 s26, $0x1;
	_ =	strace $0x80000046;
	[dreg:$0x1] =	wrdreg $0xFFFFFFFF  }
0xa7: {  	s28 =	simm.s32 $_size_execute0_lowered;
	s3 =	sadd.s32 s3, s5;
	[dreg:$0x0] =	wrdreg $0x0  }
0xa8: {  	s5 =	sshll.u32 s28, $0x1;
	[dreg:$0x2] =	wrdreg s3  }
0xa9: {  	[dreg:$0x3] =	wrdreg s5  }
0xaa: {  	[dreg:$0x4] =	wrdreg $0xC0  }
0xab: {  	_ =	task [dreg:s7], $0x5FFFF  }
0xac: {  	[dreg:$0x1] =	wrdreg $0xFFFFFFFF  }
0xad: {  	[dreg:$0x0] =	wrdreg $0x60  }
0xae: {  	[dreg:$0x2] =	wrdreg s2  }
0xaf: {  	[dreg:$0x3] =	wrdreg s24  }
0xb0: {  	[dreg:$0x4] =	wrdreg $0x101000  }
0xb1: {  	[dreg:$0x5] =	wrdreg $0x9  }
0xb2: {  	_ =	task.clear_ibuf [dreg:s7], $0x6FFFF;
	_ =	strace $0x90000046  }
0xb3: {  	s29 =	simm.s32 $0x9;
	_ =	strace $0x80000048  }
0xb4: {  	_ =	swait.ge [sflag:s29], $0x1  }
0xb5: {  	[sflag:s29] =	ssyncadd.s32 $0xFFFFFFFF  }
0xb6: {  	_ =	strace $0x90000048  }
0xb7: {  	_ =	sfence  }
0xb8: {  	s30 =	sld [smem:$0x0];
	_ =	sdelay $0x2  }
0xb9: {  	s31 =	sshll.u32 s1, $0xD;
	s1 =	sshrl.u32 s1, $0x2  }
0xba: {  	s3 =	sand.u32 $0x4000, s31;
	s1 =	sadd.s32 s1, s30  }
0xbb: {  	s0 =	sor.u32 s3, s0;
	s1 =	sshll.u32 s1, $0x11  }
0xbc: {  	s0 =	sor.u32 s1, s0  }
0xbd: {  	s0 =	sadd.s32 $0x8F2B, s0  }
0xbe: {  	[sflag:s0] =	ssyncadd.remote.s32 $0x1  }
0xbf: {  	_ =	sfence.sel $0xFFFF  }
0xc0: {  	[dreg:$0x0] =	wrdreg $0xFFFFFFFF;
	(pc) =	sbr.abs _section_cstart, $3  }
0xc1: {  	[dreg:$0x1] =	wrdreg $0xFFFFFFFF  }
0xc2: {  	_ =	task.clear_ibuf [dreg:s7], $0x2FFFF;
	_ =	strace $0x9FFFFFFF  }
0xc3: {  	(tm) =	ssettm $0x7FFFFFFF  }
tec
execute0_lowered:
.L_overlay_start_1:
0x0: {  	(tag) =	ssettag $0x1  }
0x1: {  	s1 =	rddreg [dreg:$0x0]  }
0x2: {  	s4 =	rddreg [dreg:$0x1]  }
0x3: {  	s14 =	rddreg [dreg:$0x2]  }
0x4: {  	s0 =	rddreg [dreg:$0x3];
	s2 =	simm.s32 $0x0;
	s3 =	srdreg.scid  }
0x5: {  	s12 =	stileid.u32;
	[smem:$0x7FF] =	sst s2  }
0x6: {  	s19 =	sand.u32 $0x1, s3;
	s24 =	sadd.s32 $0xE00, s4;
	s5 =	sshll.u32 s12, $0x2  }
0x7: {  	s8 =	sadd.s32 $0x1000, s4;
	s4 =	sadd.s32 $0x81000, s4;
	s6 =	sshll.u32 s19, $0x1  }
0x8: {  	_ =	strace $0x80000047;
	[dreg:$0x4] =	wrdreg s24;
	s3 =	sor.u32 s6, s5  }
0x9: {  	p0 =	sne.s32 s12, $0x0;
	s17 =	rddreg [dreg:$0x4];
	s9 =	sshll.u32 s3, $0x12  }
0xa: {  	[tilespmem:s2], [sflag:$0x2] =	stream.linear.gather [hbm4b:s17+s2], $0x100, $0x38;
	[tilespmem:$0x11100] =	vst v63  }
0xb: {  	[dreg:$0x5] =	wrdreg s4;
	s5 =	sshll.u32 s3, $0xD;
	s4 =	sadd.s32 $0xD40000, s9  }
0xc: {  	s5 =	sadd.s32 s8, s5;
	s10 =	sshrl.u32 s9, $0x3;
	s25 =	sshrl.u32 s4, $0x3  }
0xd: {  	[dreg:$0x6] =	wrdreg s5;
	s10 =	sadd.s32 s1, s10;
	s6 =	sadd.s32 s1, s25  }
0xe: {  	s5 =	sadd.s32 $0xD50000, s9;
	s28 =	sadd.s32 $0x1AC000, s10;
	[dreg:$0x7] =	wrdreg s6  }
0xf: {  	s7 =	sshrl.u32 s5, $0x3;
	s29 =	sadd.s32 $0x1AE000, s10;
	[dreg:$0x9] =	wrdreg s28  }
0x10: {  	s15 =	sadd.s32 $0x1B4000, s10;
	s16 =	sadd.s32 $0x1B6000, s10;
	[dreg:$0xa] =	wrdreg s29  }
0x11: {  	s26 =	sadd.s32 s1, s7;
	s6 =	sor.u32 $0x1, s3;
	[dreg:$0xe] =	wrdreg s15  }
0x12: {  	s7 =	sadd.s32 $0xD80000, s9;
	[dreg:$0xf] =	wrdreg s16;
	s11 =	sshll.u32 s6, $0xD  }
0x13: {  	[dreg:$0x8] =	wrdreg s26;
	s13 =	sshrl.u32 s7, $0x3;
	s11 =	sadd.s32 s8, s11  }
0x14: {  	s8 =	sadd.s32 $0xD90000, s9;
	s30 =	sadd.s32 s1, s13;
	[dreg:$0xb] =	wrdreg s11  }
0x15: {  	s31 =	sshrl.u32 s8, $0x3;
	[dreg:$0xc] =	wrdreg s30;
	s11 =	sshrl.u32 @!p0 s14, $0x3  }
0x16: {  	s13 =	sadd.s32 s1, s31;
	[dreg:$0x10] =	wrdreg s11  }
0x17: {  	s9 =	simm.s32 $0x2;
	[dreg:$0xd] =	wrdreg s13  }
0x18: {  	_ =	swait.ge [sflag:s9], $0x100  }
0x19: {  	s10 =	simm.s32 @!p0 $0x1C01;
	s13 =	rddreg [dreg:$0x5];
	[sflag:s9] =	ssyncset.done $0x0  }
0x1a: {  	s11 =	simm.s32 @!p0 $0x1;
	s15 =	rddreg [dreg:$0x10];
	[sflag:s9] =	ssyncadd.s32 $0xFFFFFF00  }
0x1b: {  	[spmem:s15], [sflag:s10] =	dma.local @!p0 [hbm:s13], $0x2000  }
0x1c: {  	_ =	swait.ge @!p0 [sflag:s11], $0x2000  }
0x1d: {  	[sflag:s11] =	ssyncset.done @!p0 $0x0  }
0x1e: {  	[sflag:s11] =	ssyncadd.s32 @!p0 $0xFFFFE000  }
0x1f: {  	[bflag:$0x0] =	sbarrier.arrive $0xFFFF  }
0x20: {  	v0 =	vld [tilespmem:s3+$0x80]  }
0x21: {  	s20 =	sshll.u32 s12, $0x6;
	s12 =	simm.s32 $0x100;
	s18 =	rddreg [dreg:$0x6];
	v1 =	vld [tilespmem:s3+$0x0]  }
0x22: {  	s14 =	sshrl.u32 s14, $0x3;
	s13 =	sor.u32 $0x1C01, s20;
	s16 =	rddreg [dreg:$0x7]  }
0x23: {  	[tilespmem:s12], [sflag:$0x1] =	stream.linear.gather [hbm4b:s18+s2], $0x10000, $0x38;
	[tilespmem:$0x11100] =	vst v63  }
0x24: {  	[hbm:s16], [sflag:s13] =	dma.local [spmem:s14], $0x2000  }
0x25: {  	(v2sf) =	vpush v0, $0x0  }
0x26: {  	(v2sf) =	vpush v1, $0x0;
	_ =	sdelay $0x3  }
0x27: {  	s21 =	rddreg [dreg:$0x8]  }
0x28: {  	[hbm:s21], [sflag:s13] =	dma.local [spmem:s14], $0x2000  }
0x29: {  	s15 =	rddreg [dreg:$0x9]  }
0x2a: {  	[hbm:s15], [sflag:s13] =	dma.local [spmem:s14], $0x2000  }
0x2b: {  	s15 =	simm.s32 $0x1;
	s22 =	rddreg [dreg:$0xa]  }
0x2c: {  	[hbm:s22], [sflag:s13] =	dma.local [spmem:s14], $0x2000  }
0x2d: {  	_ =	swait.ge [sflag:s15], $0x2000  }
0x2e: {  	[sflag:s15] =	ssyncset.done $0x0  }
0x2f: {  	[sflag:s15] =	ssyncadd.s32 $0xFFFFE000  }
0x30: {  	_ =	swait.ge [sflag:s15], $0x2000  }
0x31: {  	[sflag:s15] =	ssyncset.done $0x0;
	s18 =	spop (v2sf)  }
0x32: {  	[sflag:s15] =	ssyncadd.s32 $0xFFFFE000;
	s20 =	spop (v2sf)  }
0x33: {  	_ =	swait.ge [sflag:s15], $0x2000  }
0x34: {  	[sflag:s15] =	ssyncset.done $0x0  }
0x35: {  	[sflag:s15] =	ssyncadd.s32 $0xFFFFE000  }
0x36: {  	s17 =	simm.s32 $0x1000;
	_ =	swait.ge [sflag:s15], $0x2000  }
0x37: {  	s16 =	simm.s32 $0x800;
	s20 =	sshll.u32 s20, $0x10;
	[sflag:s15] =	ssyncset.done $0x0  }
0x38: {  	s18 =	sshll.u32 s18, $0xA;
	s21 =	sadd.s32 s4, s20;
	[sflag:s15] =	ssyncadd.s32 $0xFFFFE000  }
0x39: {  	s20 =	sadd.s32 s5, s20;
	s21 =	sadd.s32 s18, s21;
	_ =	swait.ge [sflag:s15], $0x10000  }
0x3a: {  	s18 =	sadd.s32 s18, s20;
	s21 =	sshrl.u32 s21, $0x3;
	[sflag:s15] =	ssyncset.done $0x0  }
0x3b: {  	s20 =	sshrl.u32 s18, $0x3;
	s23 =	sadd.s32 s1, s21;
	[sflag:s15] =	ssyncadd.s32 $0xFFFF0000  }
0x3c: {  	[hbm4b:s23+s16] =	stream.strided.scatter [tilespmem:s12], [sflag:$0x1], $0x8000, s17, s16, $0x38;
	[tilespmem:$0x11100] =	vst v63  }
0x3d: {  	s18 =	simm.s32 $0x8100;
	s20 =	sadd.s32 s1, s20  }
0x3e: {  	[hbm4b:s20+s16] =	stream.strided.scatter [tilespmem:s18], [sflag:$0x1], $0x8000, s17, s16, $0x38;
	[tilespmem:$0x11100] =	vst v63  }
0x3f: {  	_ =	swait.ge [sflag:s15], $0x8000  }
0x40: {  	[sflag:s15] =	ssyncset.done $0x0  }
0x41: {  	[sflag:s15] =	ssyncadd.s32 $0xFFFF8000  }
0x42: {  	_ =	swait.ge [sflag:s15], $0x8000  }
0x43: {  	[sflag:s15] =	ssyncset.done $0x0  }
0x44: {  	[sflag:s15] =	ssyncadd.s32 $0xFFFF8000  }
0x45: {  	v62 =	vld [tilespmem:s3+$0x1]  }
0x46: {  	s24 =	rddreg [dreg:$0xb];
	v63 =	vld [tilespmem:s6+$0x80]  }
0x47: {  	s25 =	rddreg [dreg:$0xc]  }
0x48: {  	[tilespmem:s12], [sflag:$0x1] =	stream.linear.gather [hbm4b:s24+s2], $0x10000, $0x38;
	[tilespmem:$0x11100] =	vst v63  }
0x49: {  	[hbm:s25], [sflag:s13] =	dma.local [spmem:s14], $0x2000  }
0x4a: {  	(v2sf) =	vpush v62, $0x0  }
0x4b: {  	(v2sf) =	vpush v63, $0x0;
	_ =	sdelay $0x3  }
0x4c: {  	s26 =	rddreg [dreg:$0xd]  }
0x4d: {  	[hbm:s26], [sflag:s13] =	dma.local [spmem:s14], $0x2000  }
0x4e: {  	s20 =	rddreg [dreg:$0xe]  }
0x4f: {  	[hbm:s20], [sflag:s13] =	dma.local [spmem:s14], $0x2000  }
0x50: {  	s20 =	rddreg [dreg:$0xf]  }
0x51: {  	[hbm:s20], [sflag:s13] =	dma.local [spmem:s14], $0x2000  }
0x52: {  	_ =	swait.ge [sflag:s15], $0x2000  }
0x53: {  	[sflag:s15] =	ssyncset.done $0x0  }
0x54: {  	[sflag:s15] =	ssyncadd.s32 $0xFFFFE000  }
0x55: {  	_ =	swait.ge [sflag:s15], $0x2000  }
0x56: {  	[sflag:s15] =	ssyncset.done $0x0;
	s28 =	spop (v2sf)  }
0x57: {  	s19 =	ssub.s32 $0x2, s19;
	[sflag:s15] =	ssyncadd.s32 $0xFFFFE000;
	s29 =	spop (v2sf)  }
0x58: {  	s22 =	sshrl.u32 s19, $0x1;
	_ =	swait.ge [sflag:s15], $0x2000  }
0x59: {  	s19 =	ssub.s32 s19, s22;
	[sflag:s15] =	ssyncset.done $0x0  }
0x5a: {  	s19 =	smax.u32 s19, $0x1;
	[sflag:s15] =	ssyncadd.s32 $0xFFFFE000  }
0x5b: {  	s19 =	sadd.s32 $0xFFFFFFFF, s19;
	_ =	swait.ge [sflag:s15], $0x2000  }
0x5c: {  	p1 =	sne.s32 s19, $0x0;
	s20 =	sshll.u32 s28, $0x10;
	[sflag:s15] =	ssyncset.done $0x0  }
0x5d: {  	s30 =	sadd.s32 s7, s20;
	s21 =	sshll.u32 s29, $0xA;
	[sflag:s15] =	ssyncadd.s32 $0xFFFFE000  }
0x5e: {  	s20 =	sadd.s32 s8, s20;
	s22 =	sadd.s32 s21, s30;
	_ =	swait.ge [sflag:s15], $0x10000  }
0x5f: {  	s20 =	sadd.s32 s21, s20;
	s22 =	sshrl.u32 s22, $0x3;
	[sflag:s15] =	ssyncset.done $0x0  }
0x60: {  	s20 =	sshrl.u32 s20, $0x3;
	s31 =	sadd.s32 s1, s22;
	[sflag:s15] =	ssyncadd.s32 $0xFFFF0000  }
0x61: {  	[hbm4b:s31+s16] =	stream.strided.scatter [tilespmem:s12], [sflag:$0x1], $0x8000, s17, s16, $0x38;
	[tilespmem:$0x11100] =	vst v63  }
.Ltmp0:
0x62: {  	s20 =	sadd.s32 s1, s20;
	(pc) =	sbr.rel @!p1 .LBB2_2-.Ltmp0, $4  }
0x63: {  	[hbm4b:s20+s16] =	stream.strided.scatter [tilespmem:s18], [sflag:$0x1], $0x8000, s17, s16, $0x38;
	[tilespmem:$0x11100] =	vst v63  }
0x64: {  	_ =	swait.ge [sflag:s15], $0x8000  }
0x65: {  	[sflag:s15] =	ssyncset.done $0x0  }
0x66: {  	[sflag:s15] =	ssyncadd.s32 $0xFFFF8000  }
.LBB2_1:
0x67: {  	_ =	swait.ge [sflag:s15], $0x8000  }
0x68: {  	[sflag:s15] =	ssyncset.done $0x0  }
0x69: {  	s20 =	rddreg [dreg:$0x4];
	[sflag:s15] =	ssyncadd.s32 $0xFFFF8000  }
0x6a: {  	[tilespmem:s2], [sflag:$0x2] =	stream.linear.gather [hbm4b:s20+s2], $0x100, $0x38;
	[tilespmem:$0x11100] =	vst v63  }
0x6b: {  	_ =	swait.ge [sflag:s9], $0x100  }
0x6c: {  	[sflag:s9] =	ssyncset.done $0x0;
	s20 =	rddreg [dreg:$0x5]  }
0x6d: {  	s21 =	rddreg [dreg:$0x10];
	[sflag:s9] =	ssyncadd.s32 $0xFFFFFF00  }
0x6e: {  	[spmem:s21], [sflag:s10] =	dma.local @!p0 [hbm:s20], $0x2000  }
0x6f: {  	_ =	swait.ge @!p0 [sflag:s11], $0x2000  }
0x70: {  	[sflag:s11] =	ssyncset.done @!p0 $0x0  }
0x71: {  	[sflag:s11] =	ssyncadd.s32 @!p0 $0xFFFFE000  }
0x72: {  	[bflag:$0x0] =	sbarrier.arrive $0xFFFF  }
0x73: {  	v0 =	vld [tilespmem:s3+$0x80]  }
0x74: {  	s28 =	rddreg [dreg:$0x6];
	v1 =	vld [tilespmem:s3+$0x0]  }
0x75: {  	s29 =	rddreg [dreg:$0x7]  }
0x76: {  	[tilespmem:s12], [sflag:$0x1] =	stream.linear.gather [hbm4b:s28+s2], $0x10000, $0x38;
	[tilespmem:$0x11100] =	vst v63  }
0x77: {  	[hbm:s29], [sflag:s13] =	dma.local [spmem:s14], $0x2000  }
0x78: {  	(v2sf) =	vpush v0, $0x0  }
0x79: {  	(v2sf) =	vpush v1, $0x0;
	_ =	sdelay $0x3  }
0x7a: {  	s30 =	rddreg [dreg:$0x8]  }
0x7b: {  	[hbm:s30], [sflag:s13] =	dma.local [spmem:s14], $0x2000  }
0x7c: {  	s20 =	rddreg [dreg:$0x9]  }
0x7d: {  	[hbm:s20], [sflag:s13] =	dma.local [spmem:s14], $0x2000  }
0x7e: {  	s20 =	rddreg [dreg:$0xa]  }
0x7f: {  	[hbm:s20], [sflag:s13] =	dma.local [spmem:s14], $0x2000  }
0x80: {  	_ =	swait.ge [sflag:s15], $0x2000  }
0x81: {  	[sflag:s15] =	ssyncset.done $0x0  }
0x82: {  	[sflag:s15] =	ssyncadd.s32 $0xFFFFE000  }
0x83: {  	_ =	swait.ge [sflag:s15], $0x2000  }
0x84: {  	[sflag:s15] =	ssyncset.done $0x0;
	s31 =	spop (v2sf)  }
0x85: {  	[sflag:s15] =	ssyncadd.s32 $0xFFFFE000;
	s22 =	spop (v2sf)  }
0x86: {  	_ =	swait.ge [sflag:s15], $0x2000  }
0x87: {  	[sflag:s15] =	ssyncset.done $0x0  }
0x88: {  	[sflag:s15] =	ssyncadd.s32 $0xFFFFE000  }
0x89: {  	_ =	swait.ge [sflag:s15], $0x2000  }
0x8a: {  	s21 =	sshll.u32 s22, $0x10;
	[sflag:s15] =	ssyncset.done $0x0  }
0x8b: {  	s20 =	sshll.u32 s31, $0xA;
	s22 =	sadd.s32 s4, s21;
	[sflag:s15] =	ssyncadd.s32 $0xFFFFE000  }
0x8c: {  	s21 =	sadd.s32 s5, s21;
	s22 =	sadd.s32 s20, s22;
	_ =	swait.ge [sflag:s15], $0x10000  }
0x8d: {  	s20 =	sadd.s32 s20, s21;
	s22 =	sshrl.u32 s22, $0x3;
	[sflag:s15] =	ssyncset.done $0x0  }
0x8e: {  	s20 =	sshrl.u32 s20, $0x3;
	s23 =	sadd.s32 s1, s22;
	[sflag:s15] =	ssyncadd.s32 $0xFFFF0000  }
0x8f: {  	[hbm4b:s23+s16] =	stream.strided.scatter [tilespmem:s12], [sflag:$0x1], $0x8000, s17, s16, $0x38;
	[tilespmem:$0x11100] =	vst v63  }
0x90: {  	s20 =	sadd.s32 s1, s20  }
0x91: {  	[hbm4b:s20+s16] =	stream.strided.scatter [tilespmem:s18], [sflag:$0x1], $0x8000, s17, s16, $0x38;
	[tilespmem:$0x11100] =	vst v63  }
0x92: {  	_ =	swait.ge [sflag:s15], $0x8000  }
0x93: {  	[sflag:s15] =	ssyncset.done $0x0  }
0x94: {  	[sflag:s15] =	ssyncadd.s32 $0xFFFF8000  }
0x95: {  	_ =	swait.ge [sflag:s15], $0x8000  }
0x96: {  	[sflag:s15] =	ssyncset.done $0x0  }
0x97: {  	[sflag:s15] =	ssyncadd.s32 $0xFFFF8000  }
0x98: {  	v62 =	vld [tilespmem:s3+$0x1]  }
0x99: {  	s24 =	rddreg [dreg:$0xb];
	v63 =	vld [tilespmem:s6+$0x80]  }
0x9a: {  	s25 =	rddreg [dreg:$0xc]  }
0x9b: {  	[tilespmem:s12], [sflag:$0x1] =	stream.linear.gather [hbm4b:s24+s2], $0x10000, $0x38;
	[tilespmem:$0x11100] =	vst v63  }
0x9c: {  	[hbm:s25], [sflag:s13] =	dma.local [spmem:s14], $0x2000  }
0x9d: {  	(v2sf) =	vpush v62, $0x0  }
0x9e: {  	(v2sf) =	vpush v63, $0x0;
	_ =	sdelay $0x3  }
0x9f: {  	s26 =	rddreg [dreg:$0xd]  }
0xa0: {  	[hbm:s26], [sflag:s13] =	dma.local [spmem:s14], $0x2000  }
0xa1: {  	s20 =	rddreg [dreg:$0xe]  }
0xa2: {  	[hbm:s20], [sflag:s13] =	dma.local [spmem:s14], $0x2000  }
0xa3: {  	s20 =	rddreg [dreg:$0xf]  }
0xa4: {  	[hbm:s20], [sflag:s13] =	dma.local [spmem:s14], $0x2000  }
0xa5: {  	_ =	swait.ge [sflag:s15], $0x2000  }
0xa6: {  	[sflag:s15] =	ssyncset.done $0x0  }
0xa7: {  	[sflag:s15] =	ssyncadd.s32 $0xFFFFE000  }
0xa8: {  	_ =	swait.ge [sflag:s15], $0x2000  }
0xa9: {  	[sflag:s15] =	ssyncset.done $0x0;
	s28 =	spop (v2sf)  }
0xaa: {  	[sflag:s15] =	ssyncadd.s32 $0xFFFFE000;
	s29 =	spop (v2sf)  }
0xab: {  	_ =	swait.ge [sflag:s15], $0x2000  }
0xac: {  	[sflag:s15] =	ssyncset.done $0x0  }
0xad: {  	[sflag:s15] =	ssyncadd.s32 $0xFFFFE000  }
0xae: {  	s19 =	sadd.s32 $0xFFFFFFFF, s19;
	_ =	swait.ge [sflag:s15], $0x2000  }
0xaf: {  	p1 =	sne.s32 s19, $0x0;
	s20 =	sshll.u32 s28, $0x10;
	[sflag:s15] =	ssyncset.done $0x0  }
0xb0: {  	s30 =	sadd.s32 s7, s20;
	s21 =	sshll.u32 s29, $0xA;
	[sflag:s15] =	ssyncadd.s32 $0xFFFFE000  }
0xb1: {  	s20 =	sadd.s32 s8, s20;
	s22 =	sadd.s32 s21, s30;
	_ =	swait.ge [sflag:s15], $0x10000  }
0xb2: {  	s20 =	sadd.s32 s21, s20;
	s22 =	sshrl.u32 s22, $0x3;
	[sflag:s15] =	ssyncset.done $0x0  }
0xb3: {  	s20 =	sshrl.u32 s20, $0x3;
	s31 =	sadd.s32 s1, s22;
	[sflag:s15] =	ssyncadd.s32 $0xFFFF0000  }
0xb4: {  	[hbm4b:s31+s16] =	stream.strided.scatter [tilespmem:s12], [sflag:$0x1], $0x8000, s17, s16, $0x38;
	[tilespmem:$0x11100] =	vst v63  }
.Ltmp1:
0xb5: {  	s20 =	sadd.s32 s1, s20;
	(pc) =	sbr.rel @p1 .LBB2_1-.Ltmp1, $4  }
0xb6: {  	[hbm4b:s20+s16] =	stream.strided.scatter [tilespmem:s18], [sflag:$0x1], $0x8000, s17, s16, $0x38;
	[tilespmem:$0x11100] =	vst v63  }
0xb7: {  	_ =	swait.ge [sflag:s15], $0x8000  }
0xb8: {  	[sflag:s15] =	ssyncset.done $0x0  }
0xb9: {  	[sflag:s15] =	ssyncadd.s32 $0xFFFF8000  }
.LBB2_2:
0xba: {  	_ =	swait.ge [sflag:s15], $0x8000  }
0xbb: {  	[sflag:s15] =	ssyncset.done $0x0  }
0xbc: {  	[sflag:s15] =	ssyncadd.s32 $0xFFFF8000  }
0xbd: {  	_ =	sfence.sel $0x180000  }
0xbe: {  	[bflag:$0x0] =	sbarrier.arrive $0xFFFF  }
0xbf: {  	_ =	strace $0x90000047  }
0xc0: {  	s0 =	sadd.s32 @!p0 $0x100000, s0;
	[bflag:$0x2] =	sbarrier.arrive $0xFFFF  }
0xc1: {  	[sflag:s0] =	ssyncadd.tile.s32 @!p0 $0x1;
	_ =	shalt  }
.Lfunc_end2:
_tile_overlayer_lowered:
.L_overlay_start_2:
0xc2: {  	(tag) =	ssettag $0x2  }
0xc3: {  	s0 =	rddreg [dreg:$0x0];
	s2 =	stileid.u32  }
0xc4: {  	s1 =	rddreg [dreg:$0x1];
	p0 =	sne.s32 s2, $0x0  }
0xc5: {  	s3 =	rddreg [dreg:$0x2];
	[bflag:$0x3] =	sbarrier.arrive $0xFFFF;
	s2 =	simm.s32 @!p0 $0x1C02  }
0xc6: {  	[timem:s3], [sflag:s2] =	dma.local @!p0 [hbm:s0], s1  }
0xc7: {  	s0 =	simm.s32 @!p0 $0x2  }
0xc8: {  	_ =	swait.ge @!p0 [sflag:s0], s1  }
0xc9: {  	s1 =	ssub.s32 @!p0 $0x0, s1;
	[sflag:s0] =	ssyncset.done @!p0 $0x0  }
0xca: {  	[sflag:s0] =	ssyncadd.s32 @!p0 s1  }
0xcb: {  	[bflag:$0x3] =	sbarrier.arrive $0xFFFF  }
0xcc: {  	_ =	shalt  }

</sc_bundles>
